<compile_context>
chip_gen: v7x
topology: tpu7x:2x2x1
jax: 0.10.2.dev20260603
libtpu: 0.0.44.dev20260713+nightly
codegen_flags: <defaults>
</compile_context>

<pallas_src>
import functools

import jax
import jax.numpy as jnp
from jax import lax
from jax.experimental import pallas as pl
from jax.experimental.pallas import tpu as pltpu
from jax.experimental.pallas import tpu_sc as plsc

B = 4096
D = 44
SP = 128
H = 1024
E = 8
A = 8
RH = H // 2
BB = 1024
NB = B // BB
BM = 256
NBLK = (B * 2) // BM + E
P = NBLK * BM
NW = 32
TPW = B // NW


def _ln(x, g, b, eps=1e-5):
    m = jnp.mean(x, axis=-1, keepdims=True)
    v = jnp.mean((x - m) * (x - m), axis=-1, keepdims=True)
    return (x - m) * jax.lax.rsqrt(v + eps) * g + b


def _meta_body(state_ref, rw1_ref, rb1_ref, rw2_ref, rb2_ref,
               probs_ref, g0_ref, g1_ref, pos_ref, blk_ref, act_ref):
    x = state_ref[...]
    h = jnp.maximum(jnp.dot(x, rw1_ref[...],
                            preferred_element_type=jnp.float32)
                    + rb1_ref[...], 0.0)
    logits = jnp.dot(h, rw2_ref[...],
                     preferred_element_type=jnp.float32) + rb2_ref[...]
    mx = jnp.max(logits, axis=-1, keepdims=True)
    ex = jnp.exp(logits - mx)
    probs = ex / jnp.sum(ex, axis=-1, keepdims=True)
    probs_ref[...] = probs
    p1 = jnp.max(probs, axis=-1, keepdims=True)
    i1 = jnp.argmax(probs, axis=-1)[:, None]
    eids = jax.lax.broadcasted_iota(jnp.int32, (B, E), 1)
    masked = jnp.where(eids == i1, -jnp.inf, probs)
    p2 = jnp.max(masked, axis=-1, keepdims=True)
    i2 = jnp.argmax(masked, axis=-1)[:, None]
    denom = p1 + p2 + 1e-8
    g0_ref[...] = p1 / denom
    g1_ref[...] = p2 / denom
    sel1 = (eids == i1).astype(jnp.float32)
    sel2 = (eids == i2).astype(jnp.float32)
    sel = sel1 + sel2
    rr = jax.lax.broadcasted_iota(jnp.int32, (512, 512), 0)
    cc = jax.lax.broadcasted_iota(jnp.int32, (512, 512), 1)
    tri = (cc < rr).astype(jnp.float32)
    carry = jnp.zeros((1, E), jnp.float32)
    chunks = []
    for c in range(B // 512):
        ch = sel[c * 512:(c + 1) * 512, :]
        chunks.append(jnp.dot(tri, ch,
                              preferred_element_type=jnp.float32) + carry)
        carry = carry + jnp.sum(ch, axis=0, keepdims=True)
    rank = jnp.concatenate(chunks, axis=0)
    counts = carry
    nblk_e = jnp.ceil(counts / BM)
    u_r = jax.lax.broadcasted_iota(jnp.int32, (E, E), 0)
    u_c = jax.lax.broadcasted_iota(jnp.int32, (E, E), 1)
    upper = (u_r < u_c).astype(jnp.float32)
    cumblk_excl = jnp.dot(nblk_e, upper,
                          preferred_element_type=jnp.float32)
    base = cumblk_excl * BM
    rank1 = jnp.sum(sel1 * rank, axis=-1, keepdims=True)
    rank2 = jnp.sum(sel2 * rank, axis=-1, keepdims=True)
    base1 = jnp.sum(sel1 * base, axis=-1, keepdims=True)
    base2 = jnp.sum(sel2 * base, axis=-1, keepdims=True)
    pos_ref[...] = jnp.concatenate(
        [base1 + rank1, base2 + rank2], axis=1).astype(jnp.int32)
    cumblk_incl = (cumblk_excl + nblk_e).astype(jnp.int32)
    biota = jax.lax.broadcasted_iota(jnp.int32, (NBLK, E), 0)
    blk = jnp.sum((biota >= cumblk_incl).astype(jnp.int32),
                  axis=-1, keepdims=True)
    blk_ref[...] = jnp.minimum(blk, E - 1)
    total = jnp.max(cumblk_incl, axis=-1, keepdims=True)
    act_ref[...] = (biota[:, :1] < total).astype(jnp.int32)


def _meta_call(state, p):
    full = lambda shape: pl.BlockSpec(shape, lambda: (0,) * len(shape))
    return pl.pallas_call(
        _meta_body,
        in_specs=[
            full((B, D)),
            full((D, RH)), full((RH,)), full((RH, E)), full((E,)),
        ],
        out_specs=[
            full((B, E)), full((B, 1)), full((B, 1)),
            full((B, 2)), full((NBLK, 1)), full((NBLK, 1)),
        ],
        out_shape=[
            jax.ShapeDtypeStruct((B, E), jnp.float32),
            jax.ShapeDtypeStruct((B, 1), jnp.float32),
            jax.ShapeDtypeStruct((B, 1), jnp.float32),
            jax.ShapeDtypeStruct((B, 2), jnp.int32),
            jax.ShapeDtypeStruct((NBLK, 1), jnp.int32),
            jax.ShapeDtypeStruct((NBLK, 1), jnp.int32),
        ],
    )(state, p['router_w1'], p['router_b1'], p['router_w2'],
      p['router_b2'])


def _value_body(xb_ref, vw1_ref, vb1_ref, vg_ref, vbe_ref,
                vw2_ref, vb2_ref, vw3_ref, vb3_ref, value_ref):
    bf = jnp.bfloat16
    xb = xb_ref[...].astype(bf)
    v = jnp.maximum(
        _ln(jnp.dot(xb, vw1_ref[...].astype(bf),
                    preferred_element_type=jnp.float32)
            + vb1_ref[...], vg_ref[...], vbe_ref[...]), 0.0)
    v = jnp.maximum(jnp.dot(v.astype(bf), vw2_ref[...].astype(bf),
                            preferred_element_type=jnp.float32)
                    + vb2_ref[...], 0.0)
    value_ref[...] = jnp.dot(v.astype(bf), vw3_ref[...].astype(bf),
                             preferred_element_type=jnp.float32) \
        + vb3_ref[...]


def _value_call(state, p):
    full = lambda shape: pl.BlockSpec(shape, lambda b: (0,) * len(shape))
    per_b = lambda shape: pl.BlockSpec(
        shape, lambda b: (b,) + (0,) * (len(shape) - 1))
    return pl.pallas_call(
        _value_body,
        grid=(NB,),
        in_specs=[
            per_b((BB, D)),
            full((D, H)), full((H,)), full((H,)), full((H,)),
            full((H, RH)), full((RH,)), full((RH, 1)), full((1,)),
        ],
        out_specs=per_b((BB, 1)),
        out_shape=jax.ShapeDtypeStruct((B, 1), jnp.float32),
        compiler_params=pltpu.CompilerParams(
            dimension_semantics=("arbitrary",),
        ),
    )(state, p['val_w1'], p['val_b1'], p['val_g'], p['val_be'],
      p['val_w2'], p['val_b2'], p['val_w3'], p['val_b3'])


def _sc_dispatch_body(state_hbm, pos_hbm, out_hbm, idx_v, rows_v, sem):
    wid = lax.axis_index("s") * 2 + lax.axis_index("c")
    base = wid * TPW
    pltpu.sync_copy(state_hbm.at[pl.ds(base, TPW)], rows_v)
    for k in range(2):
        pltpu.sync_copy(pos_hbm.at[k, wid], idx_v)
        pltpu.async_copy(rows_v, out_hbm.at[idx_v], sem).wait()


def _sc_dispatch(state_pad, pos_sc):
    f = functools.partial(
        pl.kernel,
        out_type=jax.ShapeDtypeStruct((P, SP), jnp.float32),
        mesh=plsc.VectorSubcoreMesh(core_axis_name="c",
                                    subcore_axis_name="s"),
        scratch_types=[
            pltpu.VMEM((TPW,), jnp.int32),
            pltpu.VMEM((TPW, SP), jnp.float32),
            pltpu.SemaphoreType.DMA,
        ],
        compiler_params=pltpu.CompilerParams(use_tc_tiling_on_sc=False),
    )(_sc_dispatch_body)
    return f(state_pad, pos_sc)


def _ffn_body(m_ref, a_ref, x_ref, w1_ref, b1_ref, g1_ref, be1_ref,
              w2_ref, b2_ref, g2_ref, be2_ref, w3_ref, b3_ref, out_ref):
    i = pl.program_id(0)

    @pl.when(a_ref[i] > 0)
    def _compute():
        bf = jnp.bfloat16
        x = x_ref[...].astype(bf)
        h1 = jnp.dot(x, w1_ref[0].astype(bf),
                     preferred_element_type=jnp.float32) + b1_ref[0]
        h1 = jnp.maximum(_ln(h1, g1_ref[0, 0], be1_ref[0, 0]), 0.0)
        h2 = jnp.dot(h1.astype(bf), w2_ref[0].astype(bf),
                     preferred_element_type=jnp.float32) + b2_ref[0]
        h2 = jnp.maximum(_ln(h2, g2_ref[0, 0], be2_ref[0, 0]), 0.0)
        out = jnp.dot(h2.astype(bf), w3_ref[0].astype(bf),
                      preferred_element_type=jnp.float32) + b3_ref[0]
        out_ref[...] = jnp.concatenate(
            [out, jnp.zeros((BM, SP - 2 * A), jnp.float32)], axis=1)


def _ffn_call(blk, act, dispatch, p, ew1p):
    per_e = lambda shape: pl.BlockSpec(
        (1,) + shape, lambda i, m, a: (m[i], 0, 0))
    grid_spec = pltpu.PrefetchScalarGridSpec(
        num_scalar_prefetch=2,
        grid=(NBLK,),
        in_specs=[
            pl.BlockSpec((BM, SP), lambda i, m, a: (i, 0)),
            per_e((SP, H)), per_e((1, H)), per_e((1, H)), per_e((1, H)),
            per_e((H, H)), per_e((1, H)), per_e((1, H)), per_e((1, H)),
            per_e((H, 2 * A)), per_e((1, 2 * A)),
        ],
        out_specs=pl.BlockSpec((BM, SP), lambda i, m, a: (i, 0)),
    )
    return pl.pallas_call(
        _ffn_body,
        grid_spec=grid_spec,
        out_shape=jax.ShapeDtypeStruct((P, SP), jnp.float32),
        compiler_params=pltpu.CompilerParams(
            dimension_semantics=("arbitrary",),
        ),
    )(blk, act, dispatch,
      ew1p, p['exp_b1'][:, None, :], p['exp_g1'][:, None, :],
      p['exp_be1'][:, None, :],
      p['exp_w2'], p['exp_b2'][:, None, :], p['exp_g2'][:, None, :],
      p['exp_be2'][:, None, :],
      p['exp_w3'], p['exp_b3'][:, None, :])


def _sc_gather_body(ffn_hbm, pos_hbm, r0_hbm, r1_hbm, idx_v, rows_v, sem):
    wid = lax.axis_index("s") * 2 + lax.axis_index("c")
    base = wid * TPW
    for k, out in enumerate((r0_hbm, r1_hbm)):
        pltpu.sync_copy(pos_hbm.at[k, wid], idx_v)
        pltpu.async_copy(ffn_hbm.at[idx_v], rows_v, sem).wait()
        pltpu.sync_copy(rows_v, out.at[pl.ds(base, TPW)])


def _sc_gather(ffn_out, pos_sc):
    f = functools.partial(
        pl.kernel,
        out_type=(jax.ShapeDtypeStruct((B, SP), jnp.float32),
                  jax.ShapeDtypeStruct((B, SP), jnp.float32)),
        mesh=plsc.VectorSubcoreMesh(core_axis_name="c",
                                    subcore_axis_name="s"),
        scratch_types=[
            pltpu.VMEM((TPW,), jnp.int32),
            pltpu.VMEM((TPW, SP), jnp.float32),
            pltpu.SemaphoreType.DMA,
        ],
        compiler_params=pltpu.CompilerParams(use_tc_tiling_on_sc=False),
    )(_sc_gather_body)
    return f(ffn_out, pos_sc)


def _combine_body(r0_ref, r1_ref, g0_ref, g1_ref, alpha_ref, beta_ref):
    acc = g0_ref[...] * r0_ref[:, :2 * A] + g1_ref[...] * r1_ref[:, :2 * A]
    alpha_ref[...] = jax.nn.softplus(acc[:, :A]) + 1.0
    beta_ref[...] = jax.nn.softplus(acc[:, A:]) + 1.0


def _combine_call(r0, r1, g0, g1):
    per_b = lambda shape: pl.BlockSpec(
        shape, lambda b: (b,) + (0,) * (len(shape) - 1))
    return pl.pallas_call(
        _combine_body,
        grid=(NB,),
        in_specs=[per_b((BB, SP)), per_b((BB, SP)),
                  per_b((BB, 1)), per_b((BB, 1))],
        out_specs=[per_b((BB, A)), per_b((BB, A))],
        out_shape=[jax.ShapeDtypeStruct((B, A), jnp.float32),
                   jax.ShapeDtypeStruct((B, A), jnp.float32)],
        compiler_params=pltpu.CompilerParams(
            dimension_semantics=("arbitrary",),
        ),
    )(r0, r1, g0, g1)


def kernel(state, params):
    p = params
    state_pad = jnp.pad(state, ((0, 0), (0, SP - D)))
    ew1p = jnp.pad(p['exp_w1'], ((0, 0), (0, SP - D), (0, 0)))
    probs, g0, g1, pos, blk, act = _meta_call(state, p)
    value = _value_call(state, p)
    pos_sc = pos.T.reshape(2, NW, TPW)
    dispatch = _sc_dispatch(state_pad, pos_sc)
    ffn_out = _ffn_call(blk.reshape(NBLK), act.reshape(NBLK),
                        dispatch, p, ew1p)
    r0, r1 = _sc_gather(ffn_out, pos_sc)
    alpha, beta = _combine_call(r0, r1, g0, g1)
    return (alpha, beta, value, probs)

# --- scband reference (transcript-rebuilt; emitter-appended) ---
"""Pipeline reference for scband-strategic-mo-e-21955872817424 (READ-ONLY COPY).

The authoritative reference and input builder live on the scoring server;
editing this copy changes nothing except your own understanding.
"""

import jax, jax.numpy as jnp
import numpy as np

STATE_DIM = 44
ACTION_DIM = 8
HIDDEN = 1024
E = 8
TOPK = 2
BATCH = 4096


def _layernorm(x, g, b, eps=1e-5):
    m = jnp.mean(x, axis=-1, keepdims=True)
    v = jnp.var(x, axis=-1, keepdims=True)
    return (x - m) / jnp.sqrt(v + eps) * g + b


def setup_inputs(seed: int = 0) -> dict:
    key = jax.random.key(seed)
    ks = jax.random.split(key, 16)
    state = jax.random.normal(ks[0], (BATCH, STATE_DIM), dtype=jnp.float32)
    def lin(k, i, o, scale=None):
        s = scale if scale is not None else 1.0 / np.sqrt(i)
        return (jax.random.normal(k, (i, o), dtype=jnp.float32) * s)
    params = {
        'router_w1': lin(ks[1], STATE_DIM, HIDDEN // 2),
        'router_b1': jnp.zeros((HIDDEN // 2,), jnp.float32),
        'router_w2': lin(ks[2], HIDDEN // 2, E, scale=0.02),
        'router_b2': jnp.zeros((E,), jnp.float32),
        'exp_w1': jax.random.normal(ks[3], (E, STATE_DIM, HIDDEN), jnp.float32) / np.sqrt(STATE_DIM),
        'exp_b1': jnp.zeros((E, HIDDEN), jnp.float32),
        'exp_g1': jnp.ones((E, HIDDEN), jnp.float32),
        'exp_be1': jnp.zeros((E, HIDDEN), jnp.float32),
        'exp_w2': jax.random.normal(ks[4], (E, HIDDEN, HIDDEN), jnp.float32) / np.sqrt(HIDDEN),
        'exp_b2': jnp.zeros((E, HIDDEN), jnp.float32),
        'exp_g2': jnp.ones((E, HIDDEN), jnp.float32),
        'exp_be2': jnp.zeros((E, HIDDEN), jnp.float32),
        'exp_w3': jax.random.normal(ks[5], (E, HIDDEN, 2 * ACTION_DIM), jnp.float32) / np.sqrt(HIDDEN),
        'exp_b3': jnp.zeros((E, 2 * ACTION_DIM), jnp.float32),
        'val_w1': lin(ks[6], STATE_DIM, HIDDEN),
        'val_b1': jnp.zeros((HIDDEN,), jnp.float32),
        'val_g': jnp.ones((HIDDEN,), jnp.float32),
        'val_be': jnp.zeros((HIDDEN,), jnp.float32),
        'val_w2': lin(ks[7], HIDDEN, HIDDEN // 2),
        'val_b2': jnp.zeros((HIDDEN // 2,), jnp.float32),
        'val_w3': lin(ks[8], HIDDEN // 2, 1),
        'val_b3': jnp.zeros((1,), jnp.float32),
    }
    return {'state': state, 'params': params}


def reference(state, params):
    p = params
    # Router MLP
    h = jax.nn.relu(state @ p['router_w1'] + p['router_b1'])
    router_logits = h @ p['router_w2'] + p['router_b2']
    router_probs = jax.nn.softmax(router_logits, axis=-1)
    # Top-k gating (eval mode: no noise)
    top_k_probs, top_k_idx = jax.lax.top_k(router_probs, TOPK)
    top_k_probs = top_k_probs / (jnp.sum(top_k_probs, axis=-1, keepdims=True) + 1e-8)
    # Compute all experts densely; ungated experts get weight 0 via gather,
    # mathematically identical to the per-sample loop in the torch code.
    h1 = jnp.einsum('bd,edh->ebh', state, p['exp_w1']) + p['exp_b1'][:, None, :]
    h1 = jax.nn.relu(_layernorm(h1, p['exp_g1'][:, None, :], p['exp_be1'][:, None, :]))
    h2 = jnp.einsum('ebh,ehk->ebk', h1, p['exp_w2']) + p['exp_b2'][:, None, :]
    h2 = jax.nn.relu(_layernorm(h2, p['exp_g2'][:, None, :], p['exp_be2'][:, None, :]))
    out_all = jnp.einsum('ebh,eho->ebo', h2, p['exp_w3']) + p['exp_b3'][:, None, :]
    bidx = jnp.arange(state.shape[0])
    expert_outputs = jnp.zeros((state.shape[0], 2 * ACTION_DIM), dtype=state.dtype)
    for i in range(TOPK):
        sel = out_all[top_k_idx[:, i], bidx]  # gather selected expert output [B, 2A]
        expert_outputs = expert_outputs + top_k_probs[:, i:i + 1] * sel
    alpha = jax.nn.softplus(expert_outputs[:, :ACTION_DIM]) + 1.0
    beta = jax.nn.softplus(expert_outputs[:, ACTION_DIM:]) + 1.0
    # Value head
    v = jax.nn.relu(_layernorm(state @ p['val_w1'] + p['val_b1'], p['val_g'], p['val_be']))
    v = jax.nn.relu(v @ p['val_w2'] + p['val_b2'])
    value = v @ p['val_w3'] + p['val_b3']
    return (alpha, beta, value, router_probs)

if __name__ == "__main__":
    import jax
    _d = setup_inputs()
    print(jax.jit(kernel)(*tuple(_d.values())))

</pallas_src>

<mosaic_0001>
#map = affine_map<(d0, d1) -> (0, 0)>
#map1 = affine_map<(d0, d1) -> (0, 0, 0)>
module attributes {stable_mosaic.version = 14 : i64} {
  func.func @_sc_dispatch_body(%arg0: i32, %arg1: i32, %arg2: memref<4096x128xf32, #tpu.memory_space<hbm>>, %arg3: memref<2x32x128xi32, #tpu.memory_space<hbm>>, %arg4: memref<10240x128xf32, #tpu.memory_space<hbm>>, %arg5: memref<128xi32, #tpu.memory_space<vmem>>, %arg6: memref<128x128xf32, #tpu.memory_space<vmem>>, %arg7: memref<!tpu.dma_semaphore, #tpu.memory_space<semaphore_mem>>) attributes {dimension_semantics = [#tpu.dimension_semantics<core_parallel>, #tpu.dimension_semantics<subcore_parallel>], iteration_bounds = array<i64: 2, 16>, scalar_prefetch = 0 : i64, scratch_operands = 3 : i64, tpu.core_type = #tpu.core_type<sc_vector_subcore>, window_params = [{transform_indices = #map}, {transform_indices = #map1}, {transform_indices = #map}]} {
    %mul3A = arith.constant 2 : i32
    %mul3A_0 = arith.muli %arg1, %mul3A : i32
    %add3A = arith.addi %mul3A_0, %arg0 : i32
    %mul3A_1 = arith.constant 128 : i32
    %mul3A_2 = arith.muli %add3A, %mul3A_1 : i32
    "tpu.region"() ({
      %run_scoped3A_14 = tpu.sem_alloc : memref<!tpu.dma_semaphore, #tpu.memory_space<semaphore_mem>>
      %dma_start3A_15 = arith.constant 0 : i32
      %dma_start3A_16 = tpu.memref_slice %arg2[%mul3A_2, %dma_start3A_15] : memref<4096x128xf32, #tpu.memory_space<hbm>> -> memref<128x128xf32, #tpu.memory_space<hbm>>
      %dma_start3A_17 = arith.constant 0 : i32
      %dma_start3A_18 = tpu.memref_slice %arg2[%mul3A_2, %dma_start3A_17] : memref<4096x128xf32, #tpu.memory_space<hbm>> -> memref<128x128xf32, #tpu.memory_space<hbm>>
      tpu.enqueue_dma source(%dma_start3A_18 : memref<128x128xf32, #tpu.memory_space<hbm>>) target(%arg6 : memref<128x128xf32, #tpu.memory_space<vmem>>) target_semaphore(%run_scoped3A_14 : memref<!tpu.dma_semaphore, #tpu.memory_space<semaphore_mem>>)
      %dma_wait3A_19 = arith.constant 0 : i32
      %dma_wait3A_20 = tpu.memref_slice %arg2[%mul3A_2, %dma_wait3A_19] : memref<4096x128xf32, #tpu.memory_space<hbm>> -> memref<128x128xf32, #tpu.memory_space<hbm>>
      %dma_wait3A_21 = arith.constant 0 : i32
      %dma_wait3A_22 = tpu.memref_slice %arg2[%mul3A_2, %dma_wait3A_21] : memref<4096x128xf32, #tpu.memory_space<hbm>> -> memref<128x128xf32, #tpu.memory_space<hbm>>
      tpu.wait_dma2 semaphore(%run_scoped3A_14 : memref<!tpu.dma_semaphore, #tpu.memory_space<semaphore_mem>>) src(%dma_wait3A_22 : memref<128x128xf32, #tpu.memory_space<hbm>>) dst(%arg6 : memref<128x128xf32, #tpu.memory_space<vmem>>)
      tpu.yield
    }) : () -> ()
    %run_scoped3A = arith.constant 0 : i32
    "tpu.region"() ({
      %run_scoped3A_14 = tpu.sem_alloc : memref<!tpu.dma_semaphore, #tpu.memory_space<semaphore_mem>>
      %dma_start3A_15 = arith.constant 0 : i32
      %dma_start3A_16 = tpu.memref_slice %arg3[%run_scoped3A, %add3A, %dma_start3A_15] : memref<2x32x128xi32, #tpu.memory_space<hbm>> -> memref<1x1x128xi32, #tpu.memory_space<hbm>>
      %dma_start3A_17 = tpu.memref_squeeze %dma_start3A_16 : memref<1x1x128xi32, #tpu.memory_space<hbm>> -> memref<128xi32, #tpu.memory_space<hbm>>
      %dma_start3A_18 = arith.constant 0 : i32
      %dma_start3A_19 = tpu.memref_slice %arg3[%run_scoped3A, %add3A, %dma_start3A_18] : memref<2x32x128xi32, #tpu.memory_space<hbm>> -> memref<1x1x128xi32, #tpu.memory_space<hbm>>
      %dma_start3A_20 = tpu.memref_squeeze %dma_start3A_19 : memref<1x1x128xi32, #tpu.memory_space<hbm>> -> memref<128xi32, #tpu.memory_space<hbm>>
      tpu.enqueue_dma source(%dma_start3A_20 : memref<128xi32, #tpu.memory_space<hbm>>) target(%arg5 : memref<128xi32, #tpu.memory_space<vmem>>) target_semaphore(%run_scoped3A_14 : memref<!tpu.dma_semaphore, #tpu.memory_space<semaphore_mem>>)
      %dma_wait3A_21 = arith.constant 0 : i32
      %dma_wait3A_22 = tpu.memref_slice %arg3[%run_scoped3A, %add3A, %dma_wait3A_21] : memref<2x32x128xi32, #tpu.memory_space<hbm>> -> memref<1x1x128xi32, #tpu.memory_space<hbm>>
      %dma_wait3A_23 = tpu.memref_squeeze %dma_wait3A_22 : memref<1x1x128xi32, #tpu.memory_space<hbm>> -> memref<128xi32, #tpu.memory_space<hbm>>
      %dma_wait3A_24 = arith.constant 0 : i32
      %dma_wait3A_25 = tpu.memref_slice %arg3[%run_scoped3A, %add3A, %dma_wait3A_24] : memref<2x32x128xi32, #tpu.memory_space<hbm>> -> memref<1x1x128xi32, #tpu.memory_space<hbm>>
      %dma_wait3A_26 = tpu.memref_squeeze %dma_wait3A_25 : memref<1x1x128xi32, #tpu.memory_space<hbm>> -> memref<128xi32, #tpu.memory_space<hbm>>
      tpu.wait_dma2 semaphore(%run_scoped3A_14 : memref<!tpu.dma_semaphore, #tpu.memory_space<semaphore_mem>>) src(%dma_wait3A_26 : memref<128xi32, #tpu.memory_space<hbm>>) dst(%arg5 : memref<128xi32, #tpu.memory_space<vmem>>)
      tpu.yield
    }) : () -> ()
    %dma_start3A = arith.constant 0 : i32
    %dma_start3A_3 = arith.constant 0 : i32
    %dma_start3A_4 = tpu.memref_slice %arg4[%dma_start3A, %dma_start3A_3] : memref<10240x128xf32, #tpu.memory_space<hbm>> -> memref<10240x128xf32, #tpu.memory_space<hbm>>
    tpu.enqueue_indirect_dma source(%arg6 : memref<128x128xf32, #tpu.memory_space<vmem>>) target(%dma_start3A_4 : memref<10240x128xf32, #tpu.memory_space<hbm>>) offsets(%arg5 : memref<128xi32, #tpu.memory_space<vmem>>) semaphore(%arg7 : memref<!tpu.dma_semaphore, #tpu.memory_space<semaphore_mem>>)
    %dma_wait3A = arith.constant 0 : i32
    %dma_wait3A_5 = arith.constant 0 : i32
    %dma_wait3A_6 = tpu.memref_slice %arg4[%dma_wait3A, %dma_wait3A_5] : memref<10240x128xf32, #tpu.memory_space<hbm>> -> memref<10240x128xf32, #tpu.memory_space<hbm>>
    tpu.wait_indirect_dma semaphore(%arg7 : memref<!tpu.dma_semaphore, #tpu.memory_space<semaphore_mem>>) src(%arg6 : memref<128x128xf32, #tpu.memory_space<vmem>>) dst(%dma_wait3A_6 : memref<10240x128xf32, #tpu.memory_space<hbm>>)
    %run_scoped3A_7 = arith.constant 1 : i32
    "tpu.region"() ({
      %run_scoped3A_14 = tpu.sem_alloc : memref<!tpu.dma_semaphore, #tpu.memory_space<semaphore_mem>>
      %dma_start3A_15 = arith.constant 0 : i32
      %dma_start3A_16 = tpu.memref_slice %arg3[%run_scoped3A_7, %add3A, %dma_start3A_15] : memref<2x32x128xi32, #tpu.memory_space<hbm>> -> memref<1x1x128xi32, #tpu.memory_space<hbm>>
      %dma_start3A_17 = tpu.memref_squeeze %dma_start3A_16 : memref<1x1x128xi32, #tpu.memory_space<hbm>> -> memref<128xi32, #tpu.memory_space<hbm>>
      %dma_start3A_18 = arith.constant 0 : i32
      %dma_start3A_19 = tpu.memref_slice %arg3[%run_scoped3A_7, %add3A, %dma_start3A_18] : memref<2x32x128xi32, #tpu.memory_space<hbm>> -> memref<1x1x128xi32, #tpu.memory_space<hbm>>
      %dma_start3A_20 = tpu.memref_squeeze %dma_start3A_19 : memref<1x1x128xi32, #tpu.memory_space<hbm>> -> memref<128xi32, #tpu.memory_space<hbm>>
      tpu.enqueue_dma source(%dma_start3A_20 : memref<128xi32, #tpu.memory_space<hbm>>) target(%arg5 : memref<128xi32, #tpu.memory_space<vmem>>) target_semaphore(%run_scoped3A_14 : memref<!tpu.dma_semaphore, #tpu.memory_space<semaphore_mem>>)
      %dma_wait3A_21 = arith.constant 0 : i32
      %dma_wait3A_22 = tpu.memref_slice %arg3[%run_scoped3A_7, %add3A, %dma_wait3A_21] : memref<2x32x128xi32, #tpu.memory_space<hbm>> -> memref<1x1x128xi32, #tpu.memory_space<hbm>>
      %dma_wait3A_23 = tpu.memref_squeeze %dma_wait3A_22 : memref<1x1x128xi32, #tpu.memory_space<hbm>> -> memref<128xi32, #tpu.memory_space<hbm>>
      %dma_wait3A_24 = arith.constant 0 : i32
      %dma_wait3A_25 = tpu.memref_slice %arg3[%run_scoped3A_7, %add3A, %dma_wait3A_24] : memref<2x32x128xi32, #tpu.memory_space<hbm>> -> memref<1x1x128xi32, #tpu.memory_space<hbm>>
      %dma_wait3A_26 = tpu.memref_squeeze %dma_wait3A_25 : memref<1x1x128xi32, #tpu.memory_space<hbm>> -> memref<128xi32, #tpu.memory_space<hbm>>
      tpu.wait_dma2 semaphore(%run_scoped3A_14 : memref<!tpu.dma_semaphore, #tpu.memory_space<semaphore_mem>>) src(%dma_wait3A_26 : memref<128xi32, #tpu.memory_space<hbm>>) dst(%arg5 : memref<128xi32, #tpu.memory_space<vmem>>)
      tpu.yield
    }) : () -> ()
    %dma_start3A_8 = arith.constant 0 : i32
    %dma_start3A_9 = arith.constant 0 : i32
    %dma_start3A_10 = tpu.memref_slice %arg4[%dma_start3A_8, %dma_start3A_9] : memref<10240x128xf32, #tpu.memory_space<hbm>> -> memref<10240x128xf32, #tpu.memory_space<hbm>>
    tpu.enqueue_indirect_dma source(%arg6 : memref<128x128xf32, #tpu.memory_space<vmem>>) target(%dma_start3A_10 : memref<10240x128xf32, #tpu.memory_space<hbm>>) offsets(%arg5 : memref<128xi32, #tpu.memory_space<vmem>>) semaphore(%arg7 : memref<!tpu.dma_semaphore, #tpu.memory_space<semaphore_mem>>)
    %dma_wait3A_11 = arith.constant 0 : i32
    %dma_wait3A_12 = arith.constant 0 : i32
    %dma_wait3A_13 = tpu.memref_slice %arg4[%dma_wait3A_11, %dma_wait3A_12] : memref<10240x128xf32, #tpu.memory_space<hbm>> -> memref<10240x128xf32, #tpu.memory_space<hbm>>
    tpu.wait_indirect_dma semaphore(%arg7 : memref<!tpu.dma_semaphore, #tpu.memory_space<semaphore_mem>>) src(%arg6 : memref<128x128xf32, #tpu.memory_space<vmem>>) dst(%dma_wait3A_13 : memref<10240x128xf32, #tpu.memory_space<hbm>>)
    return
  }
}

#map = affine_map<(d0, d1) -> (0, 0)>
#map1 = affine_map<(d0, d1) -> (0, 0, 0)>
module attributes {stable_mosaic.version = 14 : i64} {
  func.func @_sc_gather_body(%arg0: i32, %arg1: i32, %arg2: memref<10240x128xf32, #tpu.memory_space<hbm>>, %arg3: memref<2x32x128xi32, #tpu.memory_space<hbm>>, %arg4: memref<4096x128xf32, #tpu.memory_space<hbm>>, %arg5: memref<4096x128xf32, #tpu.memory_space<hbm>>, %arg6: memref<128xi32, #tpu.memory_space<vmem>>, %arg7: memref<128x128xf32, #tpu.memory_space<vmem>>, %arg8: memref<!tpu.dma_semaphore, #tpu.memory_space<semaphore_mem>>) attributes {dimension_semantics = [#tpu.dimension_semantics<core_parallel>, #tpu.dimension_semantics<subcore_parallel>], iteration_bounds = array<i64: 2, 16>, scalar_prefetch = 0 : i64, scratch_operands = 3 : i64, tpu.core_type = #tpu.core_type<sc_vector_subcore>, window_params = [{transform_indices = #map}, {transform_indices = #map1}, {transform_indices = #map}, {transform_indices = #map}]} {
    %mul3A = arith.constant 2 : i32
    %mul3A_0 = arith.muli %arg1, %mul3A : i32
    %add3A = arith.addi %mul3A_0, %arg0 : i32
    %mul3A_1 = arith.constant 128 : i32
    %mul3A_2 = arith.muli %add3A, %mul3A_1 : i32
    %run_scoped3A = arith.constant 0 : i32
    "tpu.region"() ({
      %run_scoped3A_14 = tpu.sem_alloc : memref<!tpu.dma_semaphore, #tpu.memory_space<semaphore_mem>>
      %dma_start3A_15 = arith.constant 0 : i32
      %dma_start3A_16 = tpu.memref_slice %arg3[%run_scoped3A, %add3A, %dma_start3A_15] : memref<2x32x128xi32, #tpu.memory_space<hbm>> -> memref<1x1x128xi32, #tpu.memory_space<hbm>>
      %dma_start3A_17 = tpu.memref_squeeze %dma_start3A_16 : memref<1x1x128xi32, #tpu.memory_space<hbm>> -> memref<128xi32, #tpu.memory_space<hbm>>
      %dma_start3A_18 = arith.constant 0 : i32
      %dma_start3A_19 = tpu.memref_slice %arg3[%run_scoped3A, %add3A, %dma_start3A_18] : memref<2x32x128xi32, #tpu.memory_space<hbm>> -> memref<1x1x128xi32, #tpu.memory_space<hbm>>
      %dma_start3A_20 = tpu.memref_squeeze %dma_start3A_19 : memref<1x1x128xi32, #tpu.memory_space<hbm>> -> memref<128xi32, #tpu.memory_space<hbm>>
      tpu.enqueue_dma source(%dma_start3A_20 : memref<128xi32, #tpu.memory_space<hbm>>) target(%arg6 : memref<128xi32, #tpu.memory_space<vmem>>) target_semaphore(%run_scoped3A_14 : memref<!tpu.dma_semaphore, #tpu.memory_space<semaphore_mem>>)
      %dma_wait3A_21 = arith.constant 0 : i32
      %dma_wait3A_22 = tpu.memref_slice %arg3[%run_scoped3A, %add3A, %dma_wait3A_21] : memref<2x32x128xi32, #tpu.memory_space<hbm>> -> memref<1x1x128xi32, #tpu.memory_space<hbm>>
      %dma_wait3A_23 = tpu.memref_squeeze %dma_wait3A_22 : memref<1x1x128xi32, #tpu.memory_space<hbm>> -> memref<128xi32, #tpu.memory_space<hbm>>
      %dma_wait3A_24 = arith.constant 0 : i32
      %dma_wait3A_25 = tpu.memref_slice %arg3[%run_scoped3A, %add3A, %dma_wait3A_24] : memref<2x32x128xi32, #tpu.memory_space<hbm>> -> memref<1x1x128xi32, #tpu.memory_space<hbm>>
      %dma_wait3A_26 = tpu.memref_squeeze %dma_wait3A_25 : memref<1x1x128xi32, #tpu.memory_space<hbm>> -> memref<128xi32, #tpu.memory_space<hbm>>
      tpu.wait_dma2 semaphore(%run_scoped3A_14 : memref<!tpu.dma_semaphore, #tpu.memory_space<semaphore_mem>>) src(%dma_wait3A_26 : memref<128xi32, #tpu.memory_space<hbm>>) dst(%arg6 : memref<128xi32, #tpu.memory_space<vmem>>)
      tpu.yield
    }) : () -> ()
    %dma_start3A = arith.constant 0 : i32
    %dma_start3A_3 = arith.constant 0 : i32
    %dma_start3A_4 = tpu.memref_slice %arg2[%dma_start3A, %dma_start3A_3] : memref<10240x128xf32, #tpu.memory_space<hbm>> -> memref<10240x128xf32, #tpu.memory_space<hbm>>
    tpu.enqueue_indirect_dma source(%dma_start3A_4 : memref<10240x128xf32, #tpu.memory_space<hbm>>) target(%arg7 : memref<128x128xf32, #tpu.memory_space<vmem>>) offsets(%arg6 : memref<128xi32, #tpu.memory_space<vmem>>) semaphore(%arg8 : memref<!tpu.dma_semaphore, #tpu.memory_space<semaphore_mem>>)
    %dma_wait3A = arith.constant 0 : i32
    %dma_wait3A_5 = arith.constant 0 : i32
    %dma_wait3A_6 = tpu.memref_slice %arg2[%dma_wait3A, %dma_wait3A_5] : memref<10240x128xf32, #tpu.memory_space<hbm>> -> memref<10240x128xf32, #tpu.memory_space<hbm>>
    tpu.wait_indirect_dma semaphore(%arg8 : memref<!tpu.dma_semaphore, #tpu.memory_space<semaphore_mem>>) src(%dma_wait3A_6 : memref<10240x128xf32, #tpu.memory_space<hbm>>) dst(%arg7 : memref<128x128xf32, #tpu.memory_space<vmem>>)
    "tpu.region"() ({
      %run_scoped3A_14 = tpu.sem_alloc : memref<!tpu.dma_semaphore, #tpu.memory_space<semaphore_mem>>
      %dma_start3A_15 = arith.constant 0 : i32
      %dma_start3A_16 = tpu.memref_slice %arg4[%mul3A_2, %dma_start3A_15] : memref<4096x128xf32, #tpu.memory_space<hbm>> -> memref<128x128xf32, #tpu.memory_space<hbm>>
      %dma_start3A_17 = arith.constant 0 : i32
      %dma_start3A_18 = tpu.memref_slice %arg4[%mul3A_2, %dma_start3A_17] : memref<4096x128xf32, #tpu.memory_space<hbm>> -> memref<128x128xf32, #tpu.memory_space<hbm>>
      tpu.enqueue_dma source(%arg7 : memref<128x128xf32, #tpu.memory_space<vmem>>) target(%dma_start3A_18 : memref<128x128xf32, #tpu.memory_space<hbm>>) target_semaphore(%run_scoped3A_14 : memref<!tpu.dma_semaphore, #tpu.memory_space<semaphore_mem>>)
      %dma_wait3A_19 = arith.constant 0 : i32
      %dma_wait3A_20 = tpu.memref_slice %arg4[%mul3A_2, %dma_wait3A_19] : memref<4096x128xf32, #tpu.memory_space<hbm>> -> memref<128x128xf32, #tpu.memory_space<hbm>>
      %dma_wait3A_21 = arith.constant 0 : i32
      %dma_wait3A_22 = tpu.memref_slice %arg4[%mul3A_2, %dma_wait3A_21] : memref<4096x128xf32, #tpu.memory_space<hbm>> -> memref<128x128xf32, #tpu.memory_space<hbm>>
      tpu.wait_dma2 semaphore(%run_scoped3A_14 : memref<!tpu.dma_semaphore, #tpu.memory_space<semaphore_mem>>) src(%arg7 : memref<128x128xf32, #tpu.memory_space<vmem>>) dst(%dma_wait3A_22 : memref<128x128xf32, #tpu.memory_space<hbm>>)
      tpu.yield
    }) : () -> ()
    %run_scoped3A_7 = arith.constant 1 : i32
    "tpu.region"() ({
      %run_scoped3A_14 = tpu.sem_alloc : memref<!tpu.dma_semaphore, #tpu.memory_space<semaphore_mem>>
      %dma_start3A_15 = arith.constant 0 : i32
      %dma_start3A_16 = tpu.memref_slice %arg3[%run_scoped3A_7, %add3A, %dma_start3A_15] : memref<2x32x128xi32, #tpu.memory_space<hbm>> -> memref<1x1x128xi32, #tpu.memory_space<hbm>>
      %dma_start3A_17 = tpu.memref_squeeze %dma_start3A_16 : memref<1x1x128xi32, #tpu.memory_space<hbm>> -> memref<128xi32, #tpu.memory_space<hbm>>
      %dma_start3A_18 = arith.constant 0 : i32
      %dma_start3A_19 = tpu.memref_slice %arg3[%run_scoped3A_7, %add3A, %dma_start3A_18] : memref<2x32x128xi32, #tpu.memory_space<hbm>> -> memref<1x1x128xi32, #tpu.memory_space<hbm>>
      %dma_start3A_20 = tpu.memref_squeeze %dma_start3A_19 : memref<1x1x128xi32, #tpu.memory_space<hbm>> -> memref<128xi32, #tpu.memory_space<hbm>>
      tpu.enqueue_dma source(%dma_start3A_20 : memref<128xi32, #tpu.memory_space<hbm>>) target(%arg6 : memref<128xi32, #tpu.memory_space<vmem>>) target_semaphore(%run_scoped3A_14 : memref<!tpu.dma_semaphore, #tpu.memory_space<semaphore_mem>>)
      %dma_wait3A_21 = arith.constant 0 : i32
      %dma_wait3A_22 = tpu.memref_slice %arg3[%run_scoped3A_7, %add3A, %dma_wait3A_21] : memref<2x32x128xi32, #tpu.memory_space<hbm>> -> memref<1x1x128xi32, #tpu.memory_space<hbm>>
      %dma_wait3A_23 = tpu.memref_squeeze %dma_wait3A_22 : memref<1x1x128xi32, #tpu.memory_space<hbm>> -> memref<128xi32, #tpu.memory_space<hbm>>
      %dma_wait3A_24 = arith.constant 0 : i32
      %dma_wait3A_25 = tpu.memref_slice %arg3[%run_scoped3A_7, %add3A, %dma_wait3A_24] : memref<2x32x128xi32, #tpu.memory_space<hbm>> -> memref<1x1x128xi32, #tpu.memory_space<hbm>>
      %dma_wait3A_26 = tpu.memref_squeeze %dma_wait3A_25 : memref<1x1x128xi32, #tpu.memory_space<hbm>> -> memref<128xi32, #tpu.memory_space<hbm>>
      tpu.wait_dma2 semaphore(%run_scoped3A_14 : memref<!tpu.dma_semaphore, #tpu.memory_space<semaphore_mem>>) src(%dma_wait3A_26 : memref<128xi32, #tpu.memory_space<hbm>>) dst(%arg6 : memref<128xi32, #tpu.memory_space<vmem>>)
      tpu.yield
    }) : () -> ()
    %dma_start3A_8 = arith.constant 0 : i32
    %dma_start3A_9 = arith.constant 0 : i32
    %dma_start3A_10 = tpu.memref_slice %arg2[%dma_start3A_8, %dma_start3A_9] : memref<10240x128xf32, #tpu.memory_space<hbm>> -> memref<10240x128xf32, #tpu.memory_space<hbm>>
    tpu.enqueue_indirect_dma source(%dma_start3A_10 : memref<10240x128xf32, #tpu.memory_space<hbm>>) target(%arg7 : memref<128x128xf32, #tpu.memory_space<vmem>>) offsets(%arg6 : memref<128xi32, #tpu.memory_space<vmem>>) semaphore(%arg8 : memref<!tpu.dma_semaphore, #tpu.memory_space<semaphore_mem>>)
    %dma_wait3A_11 = arith.constant 0 : i32
    %dma_wait3A_12 = arith.constant 0 : i32
    %dma_wait3A_13 = tpu.memref_slice %arg2[%dma_wait3A_11, %dma_wait3A_12] : memref<10240x128xf32, #tpu.memory_space<hbm>> -> memref<10240x128xf32, #tpu.memory_space<hbm>>
    tpu.wait_indirect_dma semaphore(%arg8 : memref<!tpu.dma_semaphore, #tpu.memory_space<semaphore_mem>>) src(%dma_wait3A_13 : memref<10240x128xf32, #tpu.memory_space<hbm>>) dst(%arg7 : memref<128x128xf32, #tpu.memory_space<vmem>>)
    "tpu.region"() ({
      %run_scoped3A_14 = tpu.sem_alloc : memref<!tpu.dma_semaphore, #tpu.memory_space<semaphore_mem>>
      %dma_start3A_15 = arith.constant 0 : i32
      %dma_start3A_16 = tpu.memref_slice %arg5[%mul3A_2, %dma_start3A_15] : memref<4096x128xf32, #tpu.memory_space<hbm>> -> memref<128x128xf32, #tpu.memory_space<hbm>>
      %dma_start3A_17 = arith.constant 0 : i32
      %dma_start3A_18 = tpu.memref_slice %arg5[%mul3A_2, %dma_start3A_17] : memref<4096x128xf32, #tpu.memory_space<hbm>> -> memref<128x128xf32, #tpu.memory_space<hbm>>
      tpu.enqueue_dma source(%arg7 : memref<128x128xf32, #tpu.memory_space<vmem>>) target(%dma_start3A_18 : memref<128x128xf32, #tpu.memory_space<hbm>>) target_semaphore(%run_scoped3A_14 : memref<!tpu.dma_semaphore, #tpu.memory_space<semaphore_mem>>)
      %dma_wait3A_19 = arith.constant 0 : i32
      %dma_wait3A_20 = tpu.memref_slice %arg5[%mul3A_2, %dma_wait3A_19] : memref<4096x128xf32, #tpu.memory_space<hbm>> -> memref<128x128xf32, #tpu.memory_space<hbm>>
      %dma_wait3A_21 = arith.constant 0 : i32
      %dma_wait3A_22 = tpu.memref_slice %arg5[%mul3A_2, %dma_wait3A_21] : memref<4096x128xf32, #tpu.memory_space<hbm>> -> memref<128x128xf32, #tpu.memory_space<hbm>>
      tpu.wait_dma2 semaphore(%run_scoped3A_14 : memref<!tpu.dma_semaphore, #tpu.memory_space<semaphore_mem>>) src(%arg7 : memref<128x128xf32, #tpu.memory_space<vmem>>) dst(%dma_wait3A_22 : memref<128x128xf32, #tpu.memory_space<hbm>>)
      tpu.yield
    }) : () -> ()
    return
  }
}

module attributes {stable_mosaic.version = 14 : i64} {
  func.func @_meta_body(%arg0: memref<4096x44xf32, #tpu.memory_space<vmem>>, %arg1: memref<44x512xf32, #tpu.memory_space<vmem>>, %arg2: memref<512xf32, #tpu.memory_space<vmem>>, %arg3: memref<512x8xf32, #tpu.memory_space<vmem>>, %arg4: memref<8xf32, #tpu.memory_space<vmem>>, %arg5: memref<4096x8xf32, #tpu.memory_space<vmem>>, %arg6: memref<4096x1xf32, #tpu.memory_space<vmem>>, %arg7: memref<4096x1xf32, #tpu.memory_space<vmem>>, %arg8: memref<4096x2xi32, #tpu.memory_space<vmem>>, %arg9: memref<40x1xi32, #tpu.memory_space<vmem>>, %arg10: memref<40x1xi32, #tpu.memory_space<vmem>>) attributes {dimension_semantics = [], scalar_prefetch = 0 : i64, scratch_operands = 0 : i64, tpu.core_type = #tpu.core_type<tc>} {
    %get3A = arith.constant 0 : index
    %get3A_0 = arith.constant 0 : index
    %get3A_1 = vector.load %arg0[%get3A, %get3A_0] : memref<4096x44xf32, #tpu.memory_space<vmem>>, vector<4096x44xf32>
    %get3A_2 = arith.constant 0 : index
    %get3A_3 = arith.constant 0 : index
    %get3A_4 = vector.load %arg1[%get3A_2, %get3A_3] : memref<44x512xf32, #tpu.memory_space<vmem>>, vector<44x512xf32>
    %dot_general3A = arith.constant dense<0.000000e+00> : vector<4096x512xf32>
    %dot_general3A_5 = tpu.matmul %get3A_1, %get3A_4, %dot_general3A {dimension_numbers = #tpu.dot_dimension_numbers<[1], [0], [0], [1], [0, 0, 1, 1], [], []>, transpose_lhs_hint = false} : vector<4096x44xf32>, vector<44x512xf32>, vector<4096x512xf32> -> vector<4096x512xf32>
    %get3A_6 = arith.constant 0 : index
    %get3A_7 = vector.load %arg2[%get3A_6] : memref<512xf32, #tpu.memory_space<vmem>>, vector<512xf32>
    %broadcast_in_dim3A = vector.shape_cast %get3A_7 : vector<512xf32> to vector<1x512xf32>
    %add3A = vector.broadcast %broadcast_in_dim3A : vector<1x512xf32> to vector<4096x512xf32>
    %add3A_8 = arith.addf %dot_general3A_5, %add3A : vector<4096x512xf32>
    %max3A = arith.constant 0.000000e+00 : f32
    %max3A_9 = vector.broadcast %max3A : f32 to vector<4096x512xf32>
    %max3A_10 = arith.maximumf %add3A_8, %max3A_9 : vector<4096x512xf32>
    %get3A_11 = arith.constant 0 : index
    %get3A_12 = arith.constant 0 : index
    %get3A_13 = vector.load %arg3[%get3A_11, %get3A_12] : memref<512x8xf32, #tpu.memory_space<vmem>>, vector<512x8xf32>
    %dot_general3A_14 = arith.constant dense<0.000000e+00> : vector<4096x8xf32>
    %dot_general3A_15 = tpu.matmul %max3A_10, %get3A_13, %dot_general3A_14 {dimension_numbers = #tpu.dot_dimension_numbers<[1], [0], [0], [1], [0, 0, 1, 1], [], []>, transpose_lhs_hint = false} : vector<4096x512xf32>, vector<512x8xf32>, vector<4096x8xf32> -> vector<4096x8xf32>
    %get3A_16 = arith.constant 0 : index
    %get3A_17 = vector.load %arg4[%get3A_16] : memref<8xf32, #tpu.memory_space<vmem>>, vector<8xf32>
    %broadcast_in_dim3A_18 = vector.shape_cast %get3A_17 : vector<8xf32> to vector<1x8xf32>
    %add3A_19 = vector.broadcast %broadcast_in_dim3A_18 : vector<1x8xf32> to vector<4096x8xf32>
    %add3A_20 = arith.addf %dot_general3A_15, %add3A_19 : vector<4096x8xf32>
    %reduce_max3A = arith.constant dense<0xFF800000> : vector<4096xf32>
    %reduce_max3A_21 = vector.multi_reduction <maximumf>, %add3A_20, %reduce_max3A [1] : vector<4096x8xf32> to vector<4096xf32>
    %broadcast_in_dim3A_22 = vector.shape_cast %reduce_max3A_21 : vector<4096xf32> to vector<4096x1xf32>
    %sub3A = vector.broadcast %broadcast_in_dim3A_22 : vector<4096x1xf32> to vector<4096x8xf32>
    %sub3A_23 = arith.subf %add3A_20, %sub3A : vector<4096x8xf32>
    %exp3A = math.exp %sub3A_23 : vector<4096x8xf32>
    %reduce_sum3A = arith.constant dense<0.000000e+00> : vector<4096xf32>
    %reduce_sum3A_24 = vector.multi_reduction <add>, %exp3A, %reduce_sum3A [1] : vector<4096x8xf32> to vector<4096xf32>
    %broadcast_in_dim3A_25 = vector.shape_cast %reduce_sum3A_24 : vector<4096xf32> to vector<4096x1xf32>
    %div3A = vector.broadcast %broadcast_in_dim3A_25 : vector<4096x1xf32> to vector<4096x8xf32>
    %div3A_26 = arith.divf %exp3A, %div3A : vector<4096x8xf32>
    %swap3A = arith.constant 0 : index
    %swap3A_27 = arith.constant 0 : index
    %swap3A_28 = vector.load %arg5[%swap3A, %swap3A_27] : memref<4096x8xf32, #tpu.memory_space<vmem>>, vector<4096x8xf32>
    tpu.vector_store %arg5[%swap3A, %swap3A_27], %div3A_26 {strides = array<i32>} : memref<4096x8xf32, #tpu.memory_space<vmem>>, vector<4096x8xf32>,
    %reduce_max3A_29 = arith.constant dense<0xFF800000> : vector<4096xf32>
    %reduce_max3A_30 = vector.multi_reduction <maximumf>, %div3A_26, %reduce_max3A_29 [1] : vector<4096x8xf32> to vector<4096xf32>
    %broadcast_in_dim3A_31 = vector.shape_cast %reduce_max3A_30 : vector<4096xf32> to vector<4096x1xf32>
    %argmax3A = tpu.reduce_index %div3A_26 {axis = 1 : i32, kind = #tpu.reduction_kind<arg_max>} : vector<4096x8xf32> -> vector<4096xi32>
    %broadcast_in_dim3A_32 = vector.shape_cast %argmax3A : vector<4096xi32> to vector<4096x1xi32>
    %iota3A = tpu.iota {dimensions = array<i32: 1>} : vector<4096x8xi32>
    %eq3A = vector.broadcast %broadcast_in_dim3A_32 : vector<4096x1xi32> to vector<4096x8xi32>
    %eq3A_33 = arith.cmpi eq, %iota3A, %eq3A : vector<4096x8xi32>
    %jit3A = arith.constant 0xFF800000 : f32
    %broadcast_in_dim3A_34 = vector.broadcast %jit3A : f32 to vector<4096x8xf32>
    %select_n3A = arith.select %eq3A_33, %broadcast_in_dim3A_34, %div3A_26 : vector<4096x8xi1>, vector<4096x8xf32>
    %reduce_max3A_35 = arith.constant dense<0xFF800000> : vector<4096xf32>
    %reduce_max3A_36 = vector.multi_reduction <maximumf>, %select_n3A, %reduce_max3A_35 [1] : vector<4096x8xf32> to vector<4096xf32>
    %broadcast_in_dim3A_37 = vector.shape_cast %reduce_max3A_36 : vector<4096xf32> to vector<4096x1xf32>
    %argmax3A_38 = tpu.reduce_index %select_n3A {axis = 1 : i32, kind = #tpu.reduction_kind<arg_max>} : vector<4096x8xf32> -> vector<4096xi32>
    %broadcast_in_dim3A_39 = vector.shape_cast %argmax3A_38 : vector<4096xi32> to vector<4096x1xi32>
    %add3A_40 = arith.addf %broadcast_in_dim3A_31, %broadcast_in_dim3A_37 : vector<4096x1xf32>
    %add3A_41 = arith.constant 9.99999993E-9 : f32
    %add3A_42 = vector.broadcast %add3A_41 : f32 to vector<4096x1xf32>
    %add3A_43 = arith.addf %add3A_40, %add3A_42 : vector<4096x1xf32>
    %div3A_44 = arith.divf %broadcast_in_dim3A_31, %add3A_43 : vector<4096x1xf32>
    %swap3A_45 = arith.constant 0 : index
    %swap3A_46 = arith.constant 0 : index
    %swap3A_47 = vector.load %arg6[%swap3A_45, %swap3A_46] : memref<4096x1xf32, #tpu.memory_space<vmem>>, vector<4096x1xf32>
    tpu.vector_store %arg6[%swap3A_45, %swap3A_46], %div3A_44 {strides = array<i32>} : memref<4096x1xf32, #tpu.memory_space<vmem>>, vector<4096x1xf32>,
    %div3A_48 = arith.divf %broadcast_in_dim3A_37, %add3A_43 : vector<4096x1xf32>
    %swap3A_49 = arith.constant 0 : index
    %swap3A_50 = arith.constant 0 : index
    %swap3A_51 = vector.load %arg7[%swap3A_49, %swap3A_50] : memref<4096x1xf32, #tpu.memory_space<vmem>>, vector<4096x1xf32>
    tpu.vector_store %arg7[%swap3A_49, %swap3A_50], %div3A_48 {strides = array<i32>} : memref<4096x1xf32, #tpu.memory_space<vmem>>, vector<4096x1xf32>,
    %eq3A_52 = vector.broadcast %broadcast_in_dim3A_32 : vector<4096x1xi32> to vector<4096x8xi32>
    %eq3A_53 = arith.cmpi eq, %iota3A, %eq3A_52 : vector<4096x8xi32>
    %convert_element_type3A = arith.extui %eq3A_53 : vector<4096x8xi1> to vector<4096x8xi32>
    %convert_element_type3A_54 = arith.sitofp %convert_element_type3A : vector<4096x8xi32> to vector<4096x8xf32>
    %eq3A_55 = vector.broadcast %broadcast_in_dim3A_39 : vector<4096x1xi32> to vector<4096x8xi32>
    %eq3A_56 = arith.cmpi eq, %iota3A, %eq3A_55 : vector<4096x8xi32>
    %convert_element_type3A_57 = arith.extui %eq3A_56 : vector<4096x8xi1> to vector<4096x8xi32>
    %convert_element_type3A_58 = arith.sitofp %convert_element_type3A_57 : vector<4096x8xi32> to vector<4096x8xf32>
    %add3A_59 = arith.addf %convert_element_type3A_54, %convert_element_type3A_58 : vector<4096x8xf32>
    %iota3A_60 = tpu.iota {dimensions = array<i32: 0>} : vector<512x512xi32>
    %iota3A_61 = tpu.iota {dimensions = array<i32: 1>} : vector<512x512xi32>
    %lt3A = arith.cmpi slt, %iota3A_61, %iota3A_60 : vector<512x512xi32>
    %convert_element_type3A_62 = arith.extui %lt3A : vector<512x512xi1> to vector<512x512xi32>
    %convert_element_type3A_63 = arith.sitofp %convert_element_type3A_62 : vector<512x512xi32> to vector<512x512xf32>
    %broadcast_in_dim3A_64 = arith.constant 0.000000e+00 : f32
    %broadcast_in_dim3A_65 = vector.broadcast %broadcast_in_dim3A_64 : f32 to vector<1x8xf32>
    %slice3A = vector.extract_strided_slice %add3A_59 {offsets = [0, 0], sizes = [512, 8], strides = [1, 1]} : vector<4096x8xf32> to vector<512x8xf32>
    %dot_general3A_66 = arith.constant dense<0.000000e+00> : vector<512x8xf32>
    %dot_general3A_67 = tpu.matmul %convert_element_type3A_63, %slice3A, %dot_general3A_66 {dimension_numbers = #tpu.dot_dimension_numbers<[1], [0], [0], [1], [0, 0, 1, 1], [], []>, transpose_lhs_hint = false} : vector<512x512xf32>, vector<512x8xf32>, vector<512x8xf32> -> vector<512x8xf32>
    %add3A_68 = vector.broadcast %broadcast_in_dim3A_65 : vector<1x8xf32> to vector<512x8xf32>
    %add3A_69 = arith.addf %dot_general3A_67, %add3A_68 : vector<512x8xf32>
    %reduce_sum3A_70 = arith.constant dense<0.000000e+00> : vector<8xf32>
    %reduce_sum3A_71 = vector.multi_reduction <add>, %slice3A, %reduce_sum3A_70 [0] : vector<512x8xf32> to vector<8xf32>
    %broadcast_in_dim3A_72 = vector.shape_cast %reduce_sum3A_71 : vector<8xf32> to vector<1x8xf32>
    %add3A_73 = arith.addf %broadcast_in_dim3A_65, %broadcast_in_dim3A_72 : vector<1x8xf32>
    %slice3A_74 = vector.extract_strided_slice %add3A_59 {offsets = [512, 0], sizes = [512, 8], strides = [1, 1]} : vector<4096x8xf32> to vector<512x8xf32>
    %dot_general3A_75 = arith.constant dense<0.000000e+00> : vector<512x8xf32>
    %dot_general3A_76 = tpu.matmul %convert_element_type3A_63, %slice3A_74, %dot_general3A_75 {dimension_numbers = #tpu.dot_dimension_numbers<[1], [0], [0], [1], [0, 0, 1, 1], [], []>, transpose_lhs_hint = false} : vector<512x512xf32>, vector<512x8xf32>, vector<512x8xf32> -> vector<512x8xf32>
    %add3A_77 = vector.broadcast %add3A_73 : vector<1x8xf32> to vector<512x8xf32>
    %add3A_78 = arith.addf %dot_general3A_76, %add3A_77 : vector<512x8xf32>
    %reduce_sum3A_79 = arith.constant dense<0.000000e+00> : vector<8xf32>
    %reduce_sum3A_80 = vector.multi_reduction <add>, %slice3A_74, %reduce_sum3A_79 [0] : vector<512x8xf32> to vector<8xf32>
    %broadcast_in_dim3A_81 = vector.shape_cast %reduce_sum3A_80 : vector<8xf32> to vector<1x8xf32>
    %add3A_82 = arith.addf %add3A_73, %broadcast_in_dim3A_81 : vector<1x8xf32>
    %slice3A_83 = vector.extract_strided_slice %add3A_59 {offsets = [1024, 0], sizes = [512, 8], strides = [1, 1]} : vector<4096x8xf32> to vector<512x8xf32>
    %dot_general3A_84 = arith.constant dense<0.000000e+00> : vector<512x8xf32>
    %dot_general3A_85 = tpu.matmul %convert_element_type3A_63, %slice3A_83, %dot_general3A_84 {dimension_numbers = #tpu.dot_dimension_numbers<[1], [0], [0], [1], [0, 0, 1, 1], [], []>, transpose_lhs_hint = false} : vector<512x512xf32>, vector<512x8xf32>, vector<512x8xf32> -> vector<512x8xf32>
    %add3A_86 = vector.broadcast %add3A_82 : vector<1x8xf32> to vector<512x8xf32>
    %add3A_87 = arith.addf %dot_general3A_85, %add3A_86 : vector<512x8xf32>
    %reduce_sum3A_88 = arith.constant dense<0.000000e+00> : vector<8xf32>
    %reduce_sum3A_89 = vector.multi_reduction <add>, %slice3A_83, %reduce_sum3A_88 [0] : vector<512x8xf32> to vector<8xf32>
    %broadcast_in_dim3A_90 = vector.shape_cast %reduce_sum3A_89 : vector<8xf32> to vector<1x8xf32>
    %add3A_91 = arith.addf %add3A_82, %broadcast_in_dim3A_90 : vector<1x8xf32>
    %slice3A_92 = vector.extract_strided_slice %add3A_59 {offsets = [1536, 0], sizes = [512, 8], strides = [1, 1]} : vector<4096x8xf32> to vector<512x8xf32>
    %dot_general3A_93 = arith.constant dense<0.000000e+00> : vector<512x8xf32>
    %dot_general3A_94 = tpu.matmul %convert_element_type3A_63, %slice3A_92, %dot_general3A_93 {dimension_numbers = #tpu.dot_dimension_numbers<[1], [0], [0], [1], [0, 0, 1, 1], [], []>, transpose_lhs_hint = false} : vector<512x512xf32>, vector<512x8xf32>, vector<512x8xf32> -> vector<512x8xf32>
    %add3A_95 = vector.broadcast %add3A_91 : vector<1x8xf32> to vector<512x8xf32>
    %add3A_96 = arith.addf %dot_general3A_94, %add3A_95 : vector<512x8xf32>
    %reduce_sum3A_97 = arith.constant dense<0.000000e+00> : vector<8xf32>
    %reduce_sum3A_98 = vector.multi_reduction <add>, %slice3A_92, %reduce_sum3A_97 [0] : vector<512x8xf32> to vector<8xf32>
    %broadcast_in_dim3A_99 = vector.shape_cast %reduce_sum3A_98 : vector<8xf32> to vector<1x8xf32>
    %add3A_100 = arith.addf %add3A_91, %broadcast_in_dim3A_99 : vector<1x8xf32>
    %slice3A_101 = vector.extract_strided_slice %add3A_59 {offsets = [2048, 0], sizes = [512, 8], strides = [1, 1]} : vector<4096x8xf32> to vector<512x8xf32>
    %dot_general3A_102 = arith.constant dense<0.000000e+00> : vector<512x8xf32>
    %dot_general3A_103 = tpu.matmul %convert_element_type3A_63, %slice3A_101, %dot_general3A_102 {dimension_numbers = #tpu.dot_dimension_numbers<[1], [0], [0], [1], [0, 0, 1, 1], [], []>, transpose_lhs_hint = false} : vector<512x512xf32>, vector<512x8xf32>, vector<512x8xf32> -> vector<512x8xf32>
    %add3A_104 = vector.broadcast %add3A_100 : vector<1x8xf32> to vector<512x8xf32>
    %add3A_105 = arith.addf %dot_general3A_103, %add3A_104 : vector<512x8xf32>
    %reduce_sum3A_106 = arith.constant dense<0.000000e+00> : vector<8xf32>
    %reduce_sum3A_107 = vector.multi_reduction <add>, %slice3A_101, %reduce_sum3A_106 [0] : vector<512x8xf32> to vector<8xf32>
    %broadcast_in_dim3A_108 = vector.shape_cast %reduce_sum3A_107 : vector<8xf32> to vector<1x8xf32>
    %add3A_109 = arith.addf %add3A_100, %broadcast_in_dim3A_108 : vector<1x8xf32>
    %slice3A_110 = vector.extract_strided_slice %add3A_59 {offsets = [2560, 0], sizes = [512, 8], strides = [1, 1]} : vector<4096x8xf32> to vector<512x8xf32>
    %dot_general3A_111 = arith.constant dense<0.000000e+00> : vector<512x8xf32>
    %dot_general3A_112 = tpu.matmul %convert_element_type3A_63, %slice3A_110, %dot_general3A_111 {dimension_numbers = #tpu.dot_dimension_numbers<[1], [0], [0], [1], [0, 0, 1, 1], [], []>, transpose_lhs_hint = false} : vector<512x512xf32>, vector<512x8xf32>, vector<512x8xf32> -> vector<512x8xf32>
    %add3A_113 = vector.broadcast %add3A_109 : vector<1x8xf32> to vector<512x8xf32>
    %add3A_114 = arith.addf %dot_general3A_112, %add3A_113 : vector<512x8xf32>
    %reduce_sum3A_115 = arith.constant dense<0.000000e+00> : vector<8xf32>
    %reduce_sum3A_116 = vector.multi_reduction <add>, %slice3A_110, %reduce_sum3A_115 [0] : vector<512x8xf32> to vector<8xf32>
    %broadcast_in_dim3A_117 = vector.shape_cast %reduce_sum3A_116 : vector<8xf32> to vector<1x8xf32>
    %add3A_118 = arith.addf %add3A_109, %broadcast_in_dim3A_117 : vector<1x8xf32>
    %slice3A_119 = vector.extract_strided_slice %add3A_59 {offsets = [3072, 0], sizes = [512, 8], strides = [1, 1]} : vector<4096x8xf32> to vector<512x8xf32>
    %dot_general3A_120 = arith.constant dense<0.000000e+00> : vector<512x8xf32>
    %dot_general3A_121 = tpu.matmul %convert_element_type3A_63, %slice3A_119, %dot_general3A_120 {dimension_numbers = #tpu.dot_dimension_numbers<[1], [0], [0], [1], [0, 0, 1, 1], [], []>, transpose_lhs_hint = false} : vector<512x512xf32>, vector<512x8xf32>, vector<512x8xf32> -> vector<512x8xf32>
    %add3A_122 = vector.broadcast %add3A_118 : vector<1x8xf32> to vector<512x8xf32>
    %add3A_123 = arith.addf %dot_general3A_121, %add3A_122 : vector<512x8xf32>
    %reduce_sum3A_124 = arith.constant dense<0.000000e+00> : vector<8xf32>
    %reduce_sum3A_125 = vector.multi_reduction <add>, %slice3A_119, %reduce_sum3A_124 [0] : vector<512x8xf32> to vector<8xf32>
    %broadcast_in_dim3A_126 = vector.shape_cast %reduce_sum3A_125 : vector<8xf32> to vector<1x8xf32>
    %add3A_127 = arith.addf %add3A_118, %broadcast_in_dim3A_126 : vector<1x8xf32>
    %slice3A_128 = vector.extract_strided_slice %add3A_59 {offsets = [3584, 0], sizes = [512, 8], strides = [1, 1]} : vector<4096x8xf32> to vector<512x8xf32>
    %dot_general3A_129 = arith.constant dense<0.000000e+00> : vector<512x8xf32>
    %dot_general3A_130 = tpu.matmul %convert_element_type3A_63, %slice3A_128, %dot_general3A_129 {dimension_numbers = #tpu.dot_dimension_numbers<[1], [0], [0], [1], [0, 0, 1, 1], [], []>, transpose_lhs_hint = false} : vector<512x512xf32>, vector<512x8xf32>, vector<512x8xf32> -> vector<512x8xf32>
    %add3A_131 = vector.broadcast %add3A_127 : vector<1x8xf32> to vector<512x8xf32>
    %add3A_132 = arith.addf %dot_general3A_130, %add3A_131 : vector<512x8xf32>
    %reduce_sum3A_133 = arith.constant dense<0.000000e+00> : vector<8xf32>
    %reduce_sum3A_134 = vector.multi_reduction <add>, %slice3A_128, %reduce_sum3A_133 [0] : vector<512x8xf32> to vector<8xf32>
    %broadcast_in_dim3A_135 = vector.shape_cast %reduce_sum3A_134 : vector<8xf32> to vector<1x8xf32>
    %add3A_136 = arith.addf %add3A_127, %broadcast_in_dim3A_135 : vector<1x8xf32>
    %concatenate3A = tpu.concatenate %add3A_69, %add3A_78, %add3A_87, %add3A_96, %add3A_105, %add3A_114, %add3A_123, %add3A_132 in 0 : vector<512x8xf32>, vector<512x8xf32>, vector<512x8xf32>, vector<512x8xf32>, vector<512x8xf32>, vector<512x8xf32>, vector<512x8xf32>, vector<512x8xf32> -> vector<4096x8xf32>
    %div3A_137 = arith.constant 2.560000e+02 : f32
    %div3A_138 = vector.broadcast %div3A_137 : f32 to vector<1x8xf32>
    %div3A_139 = arith.divf %add3A_136, %div3A_138 : vector<1x8xf32>
    %ceil3A = math.ceil %div3A_139 : vector<1x8xf32>
    %iota3A_140 = tpu.iota {dimensions = array<i32: 0>} : vector<8x8xi32>
    %iota3A_141 = tpu.iota {dimensions = array<i32: 1>} : vector<8x8xi32>
    %lt3A_142 = arith.cmpi slt, %iota3A_140, %iota3A_141 : vector<8x8xi32>
    %convert_element_type3A_143 = arith.extui %lt3A_142 : vector<8x8xi1> to vector<8x8xi32>
    %convert_element_type3A_144 = arith.sitofp %convert_element_type3A_143 : vector<8x8xi32> to vector<8x8xf32>
    %dot_general3A_145 = arith.constant dense<0.000000e+00> : vector<1x8xf32>
    %dot_general3A_146 = tpu.matmul %ceil3A, %convert_element_type3A_144, %dot_general3A_145 {dimension_numbers = #tpu.dot_dimension_numbers<[1], [0], [0], [1], [0, 0, 1, 1], [], []>, transpose_lhs_hint = false} : vector<1x8xf32>, vector<8x8xf32>, vector<1x8xf32> -> vector<1x8xf32>
    %mul3A = arith.constant 2.560000e+02 : f32
    %mul3A_147 = vector.broadcast %mul3A : f32 to vector<1x8xf32>
    %mul3A_148 = arith.mulf %dot_general3A_146, %mul3A_147 : vector<1x8xf32>
    %mul3A_149 = arith.mulf %convert_element_type3A_54, %concatenate3A : vector<4096x8xf32>
    %reduce_sum3A_150 = arith.constant dense<0.000000e+00> : vector<4096xf32>
    %reduce_sum3A_151 = vector.multi_reduction <add>, %mul3A_149, %reduce_sum3A_150 [1] : vector<4096x8xf32> to vector<4096xf32>
    %broadcast_in_dim3A_152 = vector.shape_cast %reduce_sum3A_151 : vector<4096xf32> to vector<4096x1xf32>
    %mul3A_153 = arith.mulf %convert_element_type3A_58, %concatenate3A : vector<4096x8xf32>
    %reduce_sum3A_154 = arith.constant dense<0.000000e+00> : vector<4096xf32>
    %reduce_sum3A_155 = vector.multi_reduction <add>, %mul3A_153, %reduce_sum3A_154 [1] : vector<4096x8xf32> to vector<4096xf32>
    %broadcast_in_dim3A_156 = vector.shape_cast %reduce_sum3A_155 : vector<4096xf32> to vector<4096x1xf32>
    %mul3A_157 = vector.broadcast %mul3A_148 : vector<1x8xf32> to vector<4096x8xf32>
    %mul3A_158 = arith.mulf %convert_element_type3A_54, %mul3A_157 : vector<4096x8xf32>
    %reduce_sum3A_159 = arith.constant dense<0.000000e+00> : vector<4096xf32>
    %reduce_sum3A_160 = vector.multi_reduction <add>, %mul3A_158, %reduce_sum3A_159 [1] : vector<4096x8xf32> to vector<4096xf32>
    %broadcast_in_dim3A_161 = vector.shape_cast %reduce_sum3A_160 : vector<4096xf32> to vector<4096x1xf32>
    %mul3A_162 = vector.broadcast %mul3A_148 : vector<1x8xf32> to vector<4096x8xf32>
    %mul3A_163 = arith.mulf %convert_element_type3A_58, %mul3A_162 : vector<4096x8xf32>
    %reduce_sum3A_164 = arith.constant dense<0.000000e+00> : vector<4096xf32>
    %reduce_sum3A_165 = vector.multi_reduction <add>, %mul3A_163, %reduce_sum3A_164 [1] : vector<4096x8xf32> to vector<4096xf32>
    %broadcast_in_dim3A_166 = vector.shape_cast %reduce_sum3A_165 : vector<4096xf32> to vector<4096x1xf32>
    %add3A_167 = arith.addf %broadcast_in_dim3A_161, %broadcast_in_dim3A_152 : vector<4096x1xf32>
    %add3A_168 = arith.addf %broadcast_in_dim3A_166, %broadcast_in_dim3A_156 : vector<4096x1xf32>
    %concatenate3A_169 = tpu.concatenate %add3A_167, %add3A_168 in 1 : vector<4096x1xf32>, vector<4096x1xf32> -> vector<4096x2xf32>
    %convert_element_type3A_170 = arith.fptosi %concatenate3A_169 : vector<4096x2xf32> to vector<4096x2xi32>
    %swap3A_171 = arith.constant 0 : index
    %swap3A_172 = arith.constant 0 : index
    %swap3A_173 = vector.load %arg8[%swap3A_171, %swap3A_172] : memref<4096x2xi32, #tpu.memory_space<vmem>>, vector<4096x2xi32>
    tpu.vector_store %arg8[%swap3A_171, %swap3A_172], %convert_element_type3A_170 {strides = array<i32>} : memref<4096x2xi32, #tpu.memory_space<vmem>>, vector<4096x2xi32>,
    %add3A_174 = arith.addf %dot_general3A_146, %ceil3A : vector<1x8xf32>
    %convert_element_type3A_175 = arith.fptosi %add3A_174 : vector<1x8xf32> to vector<1x8xi32>
    %iota3A_176 = tpu.iota {dimensions = array<i32: 0>} : vector<40x8xi32>
    %ge3A = vector.broadcast %convert_element_type3A_175 : vector<1x8xi32> to vector<40x8xi32>
    %ge3A_177 = arith.cmpi sge, %iota3A_176, %ge3A : vector<40x8xi32>
    %convert_element_type3A_178 = arith.extui %ge3A_177 : vector<40x8xi1> to vector<40x8xi32>
    %reduce_sum3A_179 = arith.constant dense<0> : vector<40xi32>
    %reduce_sum3A_180 = vector.multi_reduction <add>, %convert_element_type3A_178, %reduce_sum3A_179 [1] : vector<40x8xi32> to vector<40xi32>
    %broadcast_in_dim3A_181 = vector.shape_cast %reduce_sum3A_180 : vector<40xi32> to vector<40x1xi32>
    %min3A = arith.constant 7 : i32
    %min3A_182 = vector.broadcast %min3A : i32 to vector<40x1xi32>
    %min3A_183 = arith.minsi %broadcast_in_dim3A_181, %min3A_182 : vector<40x1xi32>
    %swap3A_184 = arith.constant 0 : index
    %swap3A_185 = arith.constant 0 : index
    %swap3A_186 = vector.load %arg9[%swap3A_184, %swap3A_185] : memref<40x1xi32, #tpu.memory_space<vmem>>, vector<40x1xi32>
    tpu.vector_store %arg9[%swap3A_184, %swap3A_185], %min3A_183 {strides = array<i32>} : memref<40x1xi32, #tpu.memory_space<vmem>>, vector<40x1xi32>,
    %reduce_max3A_187 = arith.constant dense<-2147483648> : vector<1xi32>
    %reduce_max3A_188 = vector.multi_reduction <maxsi>, %convert_element_type3A_175, %reduce_max3A_187 [1] : vector<1x8xi32> to vector<1xi32>
    %broadcast_in_dim3A_189 = vector.shape_cast %reduce_max3A_188 : vector<1xi32> to vector<1x1xi32>
    %slice3A_190 = vector.extract_strided_slice %iota3A_176 {offsets = [0, 0], sizes = [40, 1], strides = [1, 1]} : vector<40x8xi32> to vector<40x1xi32>
    %lt3A_191 = vector.broadcast %broadcast_in_dim3A_189 : vector<1x1xi32> to vector<40x1xi32>
    %lt3A_192 = arith.cmpi slt, %slice3A_190, %lt3A_191 : vector<40x1xi32>
    %convert_element_type3A_193 = arith.extui %lt3A_192 : vector<40x1xi1> to vector<40x1xi32>
    %swap3A_194 = arith.constant 0 : index
    %swap3A_195 = arith.constant 0 : index
    %swap3A_196 = vector.load %arg10[%swap3A_194, %swap3A_195] : memref<40x1xi32, #tpu.memory_space<vmem>>, vector<40x1xi32>
    tpu.vector_store %arg10[%swap3A_194, %swap3A_195], %convert_element_type3A_193 {strides = array<i32>} : memref<40x1xi32, #tpu.memory_space<vmem>>, vector<40x1xi32>,
    return
  }
}

module attributes {stable_mosaic.version = 14 : i64} {
  func.func @_ffn_body(%arg0: i32, %arg1: memref<40xi32, #tpu.memory_space<smem>>, %arg2: memref<40xi32, #tpu.memory_space<smem>>, %arg3: memref<256x128xf32, #tpu.memory_space<vmem>>, %arg4: memref<1x128x1024xf32, #tpu.memory_space<vmem>>, %arg5: memref<1x1x1024xf32, #tpu.memory_space<vmem>>, %arg6: memref<1x1x1024xf32, #tpu.memory_space<vmem>>, %arg7: memref<1x1x1024xf32, #tpu.memory_space<vmem>>, %arg8: memref<1x1024x1024xf32, #tpu.memory_space<vmem>>, %arg9: memref<1x1x1024xf32, #tpu.memory_space<vmem>>, %arg10: memref<1x1x1024xf32, #tpu.memory_space<vmem>>, %arg11: memref<1x1x1024xf32, #tpu.memory_space<vmem>>, %arg12: memref<1x1024x16xf32, #tpu.memory_space<vmem>>, %arg13: memref<1x1x16xf32, #tpu.memory_space<vmem>>, %arg14: memref<256x128xf32, #tpu.memory_space<vmem>>) attributes {dimension_semantics = [#tpu.dimension_semantics<arbitrary>], iteration_bounds = array<i64: 40>, scalar_prefetch = 2 : i64, scratch_operands = 0 : i64, tpu.core_type = #tpu.core_type<tc>, window_params = [{transform_indices = @transform_0, window_bounds = array<i64: 256, 128>}, {transform_indices = @transform_1, window_bounds = array<i64: 1, 128, 1024>}, {transform_indices = @transform_2, window_bounds = array<i64: 1, 1, 1024>}, {transform_indices = @transform_3, window_bounds = array<i64: 1, 1, 1024>}, {transform_indices = @transform_4, window_bounds = array<i64: 1, 1, 1024>}, {transform_indices = @transform_5, window_bounds = array<i64: 1, 1024, 1024>}, {transform_indices = @transform_6, window_bounds = array<i64: 1, 1, 1024>}, {transform_indices = @transform_7, window_bounds = array<i64: 1, 1, 1024>}, {transform_indices = @transform_8, window_bounds = array<i64: 1, 1, 1024>}, {transform_indices = @transform_9, window_bounds = array<i64: 1, 1024, 16>}, {transform_indices = @transform_10, window_bounds = array<i64: 1, 1, 16>}, {transform_indices = @transform_11, window_bounds = array<i64: 256, 128>}]} {
    %get3A = arith.index_cast %arg0 : i32 to index
    %get3A_0 = memref.load %arg2[%get3A] : memref<40xi32, #tpu.memory_space<smem>>
    %gt3A = arith.constant 0 : i32
    %gt3A_1 = arith.cmpi sgt, %get3A_0, %gt3A : i32
    %convert_element_type3A = arith.extui %gt3A_1 : i1 to i32
    %cond3A = arith.constant 0 : i32
    %cond3A_2 = arith.cmpi ne, %convert_element_type3A, %cond3A : i32
    scf.if %cond3A_2 {
      %get3A_3 = arith.constant 0 : index
      %get3A_4 = arith.constant 0 : index
      %get3A_5 = vector.load %arg3[%get3A_3, %get3A_4] : memref<256x128xf32, #tpu.memory_space<vmem>>, vector<256x128xf32>
      %convert_element_type3A_6 = arith.truncf %get3A_5 : vector<256x128xf32> to vector<256x128xbf16>
      %get3A_7 = arith.constant 0 : index
      %get3A_8 = arith.constant 0 : index
      %get3A_9 = arith.constant 0 : index
      %get3A_10 = vector.load %arg4[%get3A_7, %get3A_8, %get3A_9] : memref<1x128x1024xf32, #tpu.memory_space<vmem>>, vector<1x128x1024xf32>
      %get3A_11 = vector.shape_cast %get3A_10 : vector<1x128x1024xf32> to vector<128x1024xf32>
      %convert_element_type3A_12 = arith.truncf %get3A_11 : vector<128x1024xf32> to vector<128x1024xbf16>
      %dot_general3A = arith.constant dense<0.000000e+00> : vector<256x1024xf32>
      %dot_general3A_13 = tpu.matmul %convert_element_type3A_6, %convert_element_type3A_12, %dot_general3A {dimension_numbers = #tpu.dot_dimension_numbers<[1], [0], [0], [1], [0, 0, 1, 1], [], []>, transpose_lhs_hint = false} : vector<256x128xbf16>, vector<128x1024xbf16>, vector<256x1024xf32> -> vector<256x1024xf32>
      %get3A_14 = arith.constant 0 : index
      %get3A_15 = arith.constant 0 : index
      %get3A_16 = arith.constant 0 : index
      %get3A_17 = vector.load %arg5[%get3A_14, %get3A_15, %get3A_16] : memref<1x1x1024xf32, #tpu.memory_space<vmem>>, vector<1x1x1024xf32>
      %get3A_18 = vector.shape_cast %get3A_17 : vector<1x1x1024xf32> to vector<1x1024xf32>
      %add3A = vector.broadcast %get3A_18 : vector<1x1024xf32> to vector<256x1024xf32>
      %add3A_19 = arith.addf %dot_general3A_13, %add3A : vector<256x1024xf32>
      %get3A_20 = arith.constant 0 : index
      %get3A_21 = arith.constant 0 : index
      %get3A_22 = arith.constant 0 : index
      %get3A_23 = vector.load %arg6[%get3A_20, %get3A_21, %get3A_22] : memref<1x1x1024xf32, #tpu.memory_space<vmem>>, vector<1x1x1024xf32>
      %get3A_24 = vector.shape_cast %get3A_23 : vector<1x1x1024xf32> to vector<1024xf32>
      %get3A_25 = arith.constant 0 : index
      %get3A_26 = arith.constant 0 : index
      %get3A_27 = arith.constant 0 : index
      %get3A_28 = vector.load %arg7[%get3A_25, %get3A_26, %get3A_27] : memref<1x1x1024xf32, #tpu.memory_space<vmem>>, vector<1x1x1024xf32>
      %get3A_29 = vector.shape_cast %get3A_28 : vector<1x1x1024xf32> to vector<1024xf32>
      %reduce_sum3A = arith.constant dense<0.000000e+00> : vector<256xf32>
      %reduce_sum3A_30 = vector.multi_reduction <add>, %add3A_19, %reduce_sum3A [1] : vector<256x1024xf32> to vector<256xf32>
      %broadcast_in_dim3A = vector.shape_cast %reduce_sum3A_30 : vector<256xf32> to vector<256x1xf32>
      %div3A = arith.constant 1.024000e+03 : f32
      %div3A_31 = vector.broadcast %div3A : f32 to vector<256x1xf32>
      %div3A_32 = arith.divf %broadcast_in_dim3A, %div3A_31 : vector<256x1xf32>
      %sub3A = vector.broadcast %div3A_32 : vector<256x1xf32> to vector<256x1024xf32>
      %sub3A_33 = arith.subf %add3A_19, %sub3A : vector<256x1024xf32>
      %sub3A_34 = vector.broadcast %div3A_32 : vector<256x1xf32> to vector<256x1024xf32>
      %sub3A_35 = arith.subf %add3A_19, %sub3A_34 : vector<256x1024xf32>
      %mul3A = arith.mulf %sub3A_33, %sub3A_35 : vector<256x1024xf32>
      %reduce_sum3A_36 = arith.constant dense<0.000000e+00> : vector<256xf32>
      %reduce_sum3A_37 = vector.multi_reduction <add>, %mul3A, %reduce_sum3A_36 [1] : vector<256x1024xf32> to vector<256xf32>
      %broadcast_in_dim3A_38 = vector.shape_cast %reduce_sum3A_37 : vector<256xf32> to vector<256x1xf32>
      %div3A_39 = arith.constant 1.024000e+03 : f32
      %div3A_40 = vector.broadcast %div3A_39 : f32 to vector<256x1xf32>
      %div3A_41 = arith.divf %broadcast_in_dim3A_38, %div3A_40 : vector<256x1xf32>
      %sub3A_42 = vector.broadcast %div3A_32 : vector<256x1xf32> to vector<256x1024xf32>
      %sub3A_43 = arith.subf %add3A_19, %sub3A_42 : vector<256x1024xf32>
      %add3A_44 = arith.constant 9.99999974E-6 : f32
      %add3A_45 = vector.broadcast %add3A_44 : f32 to vector<256x1xf32>
      %add3A_46 = arith.addf %div3A_41, %add3A_45 : vector<256x1xf32>
      %rsqrt3A = math.rsqrt %add3A_46 : vector<256x1xf32>
      %mul3A_47 = vector.broadcast %rsqrt3A : vector<256x1xf32> to vector<256x1024xf32>
      %mul3A_48 = arith.mulf %sub3A_43, %mul3A_47 : vector<256x1024xf32>
      %broadcast_in_dim3A_49 = vector.shape_cast %get3A_24 : vector<1024xf32> to vector<1x1024xf32>
      %mul3A_50 = vector.broadcast %broadcast_in_dim3A_49 : vector<1x1024xf32> to vector<256x1024xf32>
      %mul3A_51 = arith.mulf %mul3A_48, %mul3A_50 : vector<256x1024xf32>
      %broadcast_in_dim3A_52 = vector.shape_cast %get3A_29 : vector<1024xf32> to vector<1x1024xf32>
      %add3A_53 = vector.broadcast %broadcast_in_dim3A_52 : vector<1x1024xf32> to vector<256x1024xf32>
      %add3A_54 = arith.addf %mul3A_51, %add3A_53 : vector<256x1024xf32>
      %max3A = arith.constant 0.000000e+00 : f32
      %max3A_55 = vector.broadcast %max3A : f32 to vector<256x1024xf32>
      %max3A_56 = arith.maximumf %add3A_54, %max3A_55 : vector<256x1024xf32>
      %convert_element_type3A_57 = arith.truncf %max3A_56 : vector<256x1024xf32> to vector<256x1024xbf16>
      %get3A_58 = arith.constant 0 : index
      %get3A_59 = arith.constant 0 : index
      %get3A_60 = arith.constant 0 : index
      %get3A_61 = vector.load %arg8[%get3A_58, %get3A_59, %get3A_60] : memref<1x1024x1024xf32, #tpu.memory_space<vmem>>, vector<1x1024x1024xf32>
      %get3A_62 = vector.shape_cast %get3A_61 : vector<1x1024x1024xf32> to vector<1024x1024xf32>
      %convert_element_type3A_63 = arith.truncf %get3A_62 : vector<1024x1024xf32> to vector<1024x1024xbf16>
      %dot_general3A_64 = arith.constant dense<0.000000e+00> : vector<256x1024xf32>
      %dot_general3A_65 = tpu.matmul %convert_element_type3A_57, %convert_element_type3A_63, %dot_general3A_64 {dimension_numbers = #tpu.dot_dimension_numbers<[1], [0], [0], [1], [0, 0, 1, 1], [], []>, transpose_lhs_hint = false} : vector<256x1024xbf16>, vector<1024x1024xbf16>, vector<256x1024xf32> -> vector<256x1024xf32>
      %get3A_66 = arith.constant 0 : index
      %get3A_67 = arith.constant 0 : index
      %get3A_68 = arith.constant 0 : index
      %get3A_69 = vector.load %arg9[%get3A_66, %get3A_67, %get3A_68] : memref<1x1x1024xf32, #tpu.memory_space<vmem>>, vector<1x1x1024xf32>
      %get3A_70 = vector.shape_cast %get3A_69 : vector<1x1x1024xf32> to vector<1x1024xf32>
      %add3A_71 = vector.broadcast %get3A_70 : vector<1x1024xf32> to vector<256x1024xf32>
      %add3A_72 = arith.addf %dot_general3A_65, %add3A_71 : vector<256x1024xf32>
      %get3A_73 = arith.constant 0 : index
      %get3A_74 = arith.constant 0 : index
      %get3A_75 = arith.constant 0 : index
      %get3A_76 = vector.load %arg10[%get3A_73, %get3A_74, %get3A_75] : memref<1x1x1024xf32, #tpu.memory_space<vmem>>, vector<1x1x1024xf32>
      %get3A_77 = vector.shape_cast %get3A_76 : vector<1x1x1024xf32> to vector<1024xf32>
      %get3A_78 = arith.constant 0 : index
      %get3A_79 = arith.constant 0 : index
      %get3A_80 = arith.constant 0 : index
      %get3A_81 = vector.load %arg11[%get3A_78, %get3A_79, %get3A_80] : memref<1x1x1024xf32, #tpu.memory_space<vmem>>, vector<1x1x1024xf32>
      %get3A_82 = vector.shape_cast %get3A_81 : vector<1x1x1024xf32> to vector<1024xf32>
      %reduce_sum3A_83 = arith.constant dense<0.000000e+00> : vector<256xf32>
      %reduce_sum3A_84 = vector.multi_reduction <add>, %add3A_72, %reduce_sum3A_83 [1] : vector<256x1024xf32> to vector<256xf32>
      %broadcast_in_dim3A_85 = vector.shape_cast %reduce_sum3A_84 : vector<256xf32> to vector<256x1xf32>
      %div3A_86 = arith.constant 1.024000e+03 : f32
      %div3A_87 = vector.broadcast %div3A_86 : f32 to vector<256x1xf32>
      %div3A_88 = arith.divf %broadcast_in_dim3A_85, %div3A_87 : vector<256x1xf32>
      %sub3A_89 = vector.broadcast %div3A_88 : vector<256x1xf32> to vector<256x1024xf32>
      %sub3A_90 = arith.subf %add3A_72, %sub3A_89 : vector<256x1024xf32>
      %sub3A_91 = vector.broadcast %div3A_88 : vector<256x1xf32> to vector<256x1024xf32>
      %sub3A_92 = arith.subf %add3A_72, %sub3A_91 : vector<256x1024xf32>
      %mul3A_93 = arith.mulf %sub3A_90, %sub3A_92 : vector<256x1024xf32>
      %reduce_sum3A_94 = arith.constant dense<0.000000e+00> : vector<256xf32>
      %reduce_sum3A_95 = vector.multi_reduction <add>, %mul3A_93, %reduce_sum3A_94 [1] : vector<256x1024xf32> to vector<256xf32>
      %broadcast_in_dim3A_96 = vector.shape_cast %reduce_sum3A_95 : vector<256xf32> to vector<256x1xf32>
      %div3A_97 = arith.constant 1.024000e+03 : f32
      %div3A_98 = vector.broadcast %div3A_97 : f32 to vector<256x1xf32>
      %div3A_99 = arith.divf %broadcast_in_dim3A_96, %div3A_98 : vector<256x1xf32>
      %sub3A_100 = vector.broadcast %div3A_88 : vector<256x1xf32> to vector<256x1024xf32>
      %sub3A_101 = arith.subf %add3A_72, %sub3A_100 : vector<256x1024xf32>
      %add3A_102 = arith.constant 9.99999974E-6 : f32
      %add3A_103 = vector.broadcast %add3A_102 : f32 to vector<256x1xf32>
      %add3A_104 = arith.addf %div3A_99, %add3A_103 : vector<256x1xf32>
      %rsqrt3A_105 = math.rsqrt %add3A_104 : vector<256x1xf32>
      %mul3A_106 = vector.broadcast %rsqrt3A_105 : vector<256x1xf32> to vector<256x1024xf32>
      %mul3A_107 = arith.mulf %sub3A_101, %mul3A_106 : vector<256x1024xf32>
      %broadcast_in_dim3A_108 = vector.shape_cast %get3A_77 : vector<1024xf32> to vector<1x1024xf32>
      %mul3A_109 = vector.broadcast %broadcast_in_dim3A_108 : vector<1x1024xf32> to vector<256x1024xf32>
      %mul3A_110 = arith.mulf %mul3A_107, %mul3A_109 : vector<256x1024xf32>
      %broadcast_in_dim3A_111 = vector.shape_cast %get3A_82 : vector<1024xf32> to vector<1x1024xf32>
      %add3A_112 = vector.broadcast %broadcast_in_dim3A_111 : vector<1x1024xf32> to vector<256x1024xf32>
      %add3A_113 = arith.addf %mul3A_110, %add3A_112 : vector<256x1024xf32>
      %max3A_114 = arith.constant 0.000000e+00 : f32
      %max3A_115 = vector.broadcast %max3A_114 : f32 to vector<256x1024xf32>
      %max3A_116 = arith.maximumf %add3A_113, %max3A_115 : vector<256x1024xf32>
      %convert_element_type3A_117 = arith.truncf %max3A_116 : vector<256x1024xf32> to vector<256x1024xbf16>
      %get3A_118 = arith.constant 0 : index
      %get3A_119 = arith.constant 0 : index
      %get3A_120 = arith.constant 0 : index
      %get3A_121 = vector.load %arg12[%get3A_118, %get3A_119, %get3A_120] : memref<1x1024x16xf32, #tpu.memory_space<vmem>>, vector<1x1024x16xf32>
      %get3A_122 = vector.shape_cast %get3A_121 : vector<1x1024x16xf32> to vector<1024x16xf32>
      %convert_element_type3A_123 = arith.truncf %get3A_122 : vector<1024x16xf32> to vector<1024x16xbf16>
      %dot_general3A_124 = arith.constant dense<0.000000e+00> : vector<256x16xf32>
      %dot_general3A_125 = tpu.matmul %convert_element_type3A_117, %convert_element_type3A_123, %dot_general3A_124 {dimension_numbers = #tpu.dot_dimension_numbers<[1], [0], [0], [1], [0, 0, 1, 1], [], []>, transpose_lhs_hint = false} : vector<256x1024xbf16>, vector<1024x16xbf16>, vector<256x16xf32> -> vector<256x16xf32>
      %get3A_126 = arith.constant 0 : index
      %get3A_127 = arith.constant 0 : index
      %get3A_128 = arith.constant 0 : index
      %get3A_129 = vector.load %arg13[%get3A_126, %get3A_127, %get3A_128] : memref<1x1x16xf32, #tpu.memory_space<vmem>>, vector<1x1x16xf32>
      %get3A_130 = vector.shape_cast %get3A_129 : vector<1x1x16xf32> to vector<1x16xf32>
      %add3A_131 = vector.broadcast %get3A_130 : vector<1x16xf32> to vector<256x16xf32>
      %add3A_132 = arith.addf %dot_general3A_125, %add3A_131 : vector<256x16xf32>
      %broadcast_in_dim3A_133 = arith.constant 0.000000e+00 : f32
      %broadcast_in_dim3A_134 = vector.broadcast %broadcast_in_dim3A_133 : f32 to vector<256x112xf32>
      %concatenate3A = tpu.concatenate %add3A_132, %broadcast_in_dim3A_134 in 1 : vector<256x16xf32>, vector<256x112xf32> -> vector<256x128xf32>
      %swap3A = arith.constant 0 : index
      %swap3A_135 = arith.constant 0 : index
      %swap3A_136 = vector.load %arg14[%swap3A, %swap3A_135] : memref<256x128xf32, #tpu.memory_space<vmem>>, vector<256x128xf32>
      tpu.vector_store %arg14[%swap3A, %swap3A_135], %concatenate3A {strides = array<i32>} : memref<256x128xf32, #tpu.memory_space<vmem>>, vector<256x128xf32>,
    } else {
    }
    return
  }
  func.func @transform_0(%arg0: i32, %arg1: memref<40xi32, #tpu.memory_space<smem>>, %arg2: memref<40xi32, #tpu.memory_space<smem>>) -> (i32, i32) {
    %c0_i32 = arith.constant 0 : i32
    %c0_i32_0 = arith.constant 0 : i32
    return %arg0, %c0_i32 : i32, i32
  }
  func.func @transform_1(%arg0: i32, %arg1: memref<40xi32, #tpu.memory_space<smem>>, %arg2: memref<40xi32, #tpu.memory_space<smem>>) -> (i32, i32, i32) {
    %get3A = arith.index_cast %arg0 : i32 to index
    %get3A_0 = memref.load %arg1[%get3A] : memref<40xi32, #tpu.memory_space<smem>>
    %c0_i32 = arith.constant 0 : i32
    %c0_i32_1 = arith.constant 0 : i32
    %c0_i32_2 = arith.constant 0 : i32
    return %get3A_0, %c0_i32, %c0_i32_1 : i32, i32, i32
  }
  func.func @transform_2(%arg0: i32, %arg1: memref<40xi32, #tpu.memory_space<smem>>, %arg2: memref<40xi32, #tpu.memory_space<smem>>) -> (i32, i32, i32) {
    %get3A = arith.index_cast %arg0 : i32 to index
    %get3A_0 = memref.load %arg1[%get3A] : memref<40xi32, #tpu.memory_space<smem>>
    %c0_i32 = arith.constant 0 : i32
    %c0_i32_1 = arith.constant 0 : i32
    %c0_i32_2 = arith.constant 0 : i32
    return %get3A_0, %c0_i32, %c0_i32_1 : i32, i32, i32
  }
  func.func @transform_3(%arg0: i32, %arg1: memref<40xi32, #tpu.memory_space<smem>>, %arg2: memref<40xi32, #tpu.memory_space<smem>>) -> (i32, i32, i32) {
    %get3A = arith.index_cast %arg0 : i32 to index
    %get3A_0 = memref.load %arg1[%get3A] : memref<40xi32, #tpu.memory_space<smem>>
    %c0_i32 = arith.constant 0 : i32
    %c0_i32_1 = arith.constant 0 : i32
    %c0_i32_2 = arith.constant 0 : i32
    return %get3A_0, %c0_i32, %c0_i32_1 : i32, i32, i32
  }
  func.func @transform_4(%arg0: i32, %arg1: memref<40xi32, #tpu.memory_space<smem>>, %arg2: memref<40xi32, #tpu.memory_space<smem>>) -> (i32, i32, i32) {
    %get3A = arith.index_cast %arg0 : i32 to index
    %get3A_0 = memref.load %arg1[%get3A] : memref<40xi32, #tpu.memory_space<smem>>
    %c0_i32 = arith.constant 0 : i32
    %c0_i32_1 = arith.constant 0 : i32
    %c0_i32_2 = arith.constant 0 : i32
    return %get3A_0, %c0_i32, %c0_i32_1 : i32, i32, i32
  }
  func.func @transform_5(%arg0: i32, %arg1: memref<40xi32, #tpu.memory_space<smem>>, %arg2: memref<40xi32, #tpu.memory_space<smem>>) -> (i32, i32, i32) {
    %get3A = arith.index_cast %arg0 : i32 to index
    %get3A_0 = memref.load %arg1[%get3A] : memref<40xi32, #tpu.memory_space<smem>>
    %c0_i32 = arith.constant 0 : i32
    %c0_i32_1 = arith.constant 0 : i32
    %c0_i32_2 = arith.constant 0 : i32
    return %get3A_0, %c0_i32, %c0_i32_1 : i32, i32, i32
  }
  func.func @transform_6(%arg0: i32, %arg1: memref<40xi32, #tpu.memory_space<smem>>, %arg2: memref<40xi32, #tpu.memory_space<smem>>) -> (i32, i32, i32) {
    %get3A = arith.index_cast %arg0 : i32 to index
    %get3A_0 = memref.load %arg1[%get3A] : memref<40xi32, #tpu.memory_space<smem>>
    %c0_i32 = arith.constant 0 : i32
    %c0_i32_1 = arith.constant 0 : i32
    %c0_i32_2 = arith.constant 0 : i32
    return %get3A_0, %c0_i32, %c0_i32_1 : i32, i32, i32
  }
  func.func @transform_7(%arg0: i32, %arg1: memref<40xi32, #tpu.memory_space<smem>>, %arg2: memref<40xi32, #tpu.memory_space<smem>>) -> (i32, i32, i32) {
    %get3A = arith.index_cast %arg0 : i32 to index
    %get3A_0 = memref.load %arg1[%get3A] : memref<40xi32, #tpu.memory_space<smem>>
    %c0_i32 = arith.constant 0 : i32
    %c0_i32_1 = arith.constant 0 : i32
    %c0_i32_2 = arith.constant 0 : i32
    return %get3A_0, %c0_i32, %c0_i32_1 : i32, i32, i32
  }
  func.func @transform_8(%arg0: i32, %arg1: memref<40xi32, #tpu.memory_space<smem>>, %arg2: memref<40xi32, #tpu.memory_space<smem>>) -> (i32, i32, i32) {
    %get3A = arith.index_cast %arg0 : i32 to index
    %get3A_0 = memref.load %arg1[%get3A] : memref<40xi32, #tpu.memory_space<smem>>
    %c0_i32 = arith.constant 0 : i32
    %c0_i32_1 = arith.constant 0 : i32
    %c0_i32_2 = arith.constant 0 : i32
    return %get3A_0, %c0_i32, %c0_i32_1 : i32, i32, i32
  }
  func.func @transform_9(%arg0: i32, %arg1: memref<40xi32, #tpu.memory_space<smem>>, %arg2: memref<40xi32, #tpu.memory_space<smem>>) -> (i32, i32, i32) {
    %get3A = arith.index_cast %arg0 : i32 to index
    %get3A_0 = memref.load %arg1[%get3A] : memref<40xi32, #tpu.memory_space<smem>>
    %c0_i32 = arith.constant 0 : i32
    %c0_i32_1 = arith.constant 0 : i32
    %c0_i32_2 = arith.constant 0 : i32
    return %get3A_0, %c0_i32, %c0_i32_1 : i32, i32, i32
  }
  func.func @transform_10(%arg0: i32, %arg1: memref<40xi32, #tpu.memory_space<smem>>, %arg2: memref<40xi32, #tpu.memory_space<smem>>) -> (i32, i32, i32) {
    %get3A = arith.index_cast %arg0 : i32 to index
    %get3A_0 = memref.load %arg1[%get3A] : memref<40xi32, #tpu.memory_space<smem>>
    %c0_i32 = arith.constant 0 : i32
    %c0_i32_1 = arith.constant 0 : i32
    %c0_i32_2 = arith.constant 0 : i32
    return %get3A_0, %c0_i32, %c0_i32_1 : i32, i32, i32
  }
  func.func @transform_11(%arg0: i32, %arg1: memref<40xi32, #tpu.memory_space<smem>>, %arg2: memref<40xi32, #tpu.memory_space<smem>>) -> (i32, i32) {
    %c0_i32 = arith.constant 0 : i32
    %c0_i32_0 = arith.constant 0 : i32
    return %arg0, %c0_i32 : i32, i32
  }
}

module attributes {stable_mosaic.version = 14 : i64} {
  func.func @_value_body(%arg0: i32, %arg1: memref<1024x44xf32, #tpu.memory_space<vmem>>, %arg2: memref<44x1024xf32, #tpu.memory_space<vmem>>, %arg3: memref<1024xf32, #tpu.memory_space<vmem>>, %arg4: memref<1024xf32, #tpu.memory_space<vmem>>, %arg5: memref<1024xf32, #tpu.memory_space<vmem>>, %arg6: memref<1024x512xf32, #tpu.memory_space<vmem>>, %arg7: memref<512xf32, #tpu.memory_space<vmem>>, %arg8: memref<512x1xf32, #tpu.memory_space<vmem>>, %arg9: memref<1xf32, #tpu.memory_space<vmem>>, %arg10: memref<1024x1xf32, #tpu.memory_space<vmem>>) attributes {dimension_semantics = [#tpu.dimension_semantics<arbitrary>], iteration_bounds = array<i64: 4>, scalar_prefetch = 0 : i64, scratch_operands = 0 : i64, tpu.core_type = #tpu.core_type<tc>, window_params = [{transform_indices = @transform_0, window_bounds = array<i64: 1024, 44>}, {pipeline_mode = #tpu.pipeline_mode<synchronous>, transform_indices = @transform_1, window_bounds = array<i64: 44, 1024>}, {pipeline_mode = #tpu.pipeline_mode<synchronous>, transform_indices = @transform_2, window_bounds = array<i64: 1024>}, {pipeline_mode = #tpu.pipeline_mode<synchronous>, transform_indices = @transform_3, window_bounds = array<i64: 1024>}, {pipeline_mode = #tpu.pipeline_mode<synchronous>, transform_indices = @transform_4, window_bounds = array<i64: 1024>}, {pipeline_mode = #tpu.pipeline_mode<synchronous>, transform_indices = @transform_5, window_bounds = array<i64: 1024, 512>}, {pipeline_mode = #tpu.pipeline_mode<synchronous>, transform_indices = @transform_6, window_bounds = array<i64: 512>}, {pipeline_mode = #tpu.pipeline_mode<synchronous>, transform_indices = @transform_7, window_bounds = array<i64: 512, 1>}, {pipeline_mode = #tpu.pipeline_mode<synchronous>, transform_indices = @transform_8, window_bounds = array<i64: 1>}, {transform_indices = @transform_9, window_bounds = array<i64: 1024, 1>}]} {
    %get3A = arith.constant 0 : index
    %get3A_0 = arith.constant 0 : index
    %get3A_1 = vector.load %arg1[%get3A, %get3A_0] : memref<1024x44xf32, #tpu.memory_space<vmem>>, vector<1024x44xf32>
    %convert_element_type3A = arith.truncf %get3A_1 : vector<1024x44xf32> to vector<1024x44xbf16>
    %get3A_2 = arith.constant 0 : index
    %get3A_3 = arith.constant 0 : index
    %get3A_4 = vector.load %arg2[%get3A_2, %get3A_3] : memref<44x1024xf32, #tpu.memory_space<vmem>>, vector<44x1024xf32>
    %convert_element_type3A_5 = arith.truncf %get3A_4 : vector<44x1024xf32> to vector<44x1024xbf16>
    %dot_general3A = arith.constant dense<0.000000e+00> : vector<1024x1024xf32>
    %dot_general3A_6 = tpu.matmul %convert_element_type3A, %convert_element_type3A_5, %dot_general3A {dimension_numbers = #tpu.dot_dimension_numbers<[1], [0], [0], [1], [0, 0, 1, 1], [], []>, transpose_lhs_hint = false} : vector<1024x44xbf16>, vector<44x1024xbf16>, vector<1024x1024xf32> -> vector<1024x1024xf32>
    %get3A_7 = arith.constant 0 : index
    %get3A_8 = vector.load %arg3[%get3A_7] : memref<1024xf32, #tpu.memory_space<vmem>>, vector<1024xf32>
    %broadcast_in_dim3A = vector.shape_cast %get3A_8 : vector<1024xf32> to vector<1x1024xf32>
    %add3A = vector.broadcast %broadcast_in_dim3A : vector<1x1024xf32> to vector<1024x1024xf32>
    %add3A_9 = arith.addf %dot_general3A_6, %add3A : vector<1024x1024xf32>
    %get3A_10 = arith.constant 0 : index
    %get3A_11 = vector.load %arg4[%get3A_10] : memref<1024xf32, #tpu.memory_space<vmem>>, vector<1024xf32>
    %get3A_12 = arith.constant 0 : index
    %get3A_13 = vector.load %arg5[%get3A_12] : memref<1024xf32, #tpu.memory_space<vmem>>, vector<1024xf32>
    %reduce_sum3A = arith.constant dense<0.000000e+00> : vector<1024xf32>
    %reduce_sum3A_14 = vector.multi_reduction <add>, %add3A_9, %reduce_sum3A [1] : vector<1024x1024xf32> to vector<1024xf32>
    %broadcast_in_dim3A_15 = vector.shape_cast %reduce_sum3A_14 : vector<1024xf32> to vector<1024x1xf32>
    %div3A = arith.constant 1.024000e+03 : f32
    %div3A_16 = vector.broadcast %div3A : f32 to vector<1024x1xf32>
    %div3A_17 = arith.divf %broadcast_in_dim3A_15, %div3A_16 : vector<1024x1xf32>
    %sub3A = vector.broadcast %div3A_17 : vector<1024x1xf32> to vector<1024x1024xf32>
    %sub3A_18 = arith.subf %add3A_9, %sub3A : vector<1024x1024xf32>
    %sub3A_19 = vector.broadcast %div3A_17 : vector<1024x1xf32> to vector<1024x1024xf32>
    %sub3A_20 = arith.subf %add3A_9, %sub3A_19 : vector<1024x1024xf32>
    %mul3A = arith.mulf %sub3A_18, %sub3A_20 : vector<1024x1024xf32>
    %reduce_sum3A_21 = arith.constant dense<0.000000e+00> : vector<1024xf32>
    %reduce_sum3A_22 = vector.multi_reduction <add>, %mul3A, %reduce_sum3A_21 [1] : vector<1024x1024xf32> to vector<1024xf32>
    %broadcast_in_dim3A_23 = vector.shape_cast %reduce_sum3A_22 : vector<1024xf32> to vector<1024x1xf32>
    %div3A_24 = arith.constant 1.024000e+03 : f32
    %div3A_25 = vector.broadcast %div3A_24 : f32 to vector<1024x1xf32>
    %div3A_26 = arith.divf %broadcast_in_dim3A_23, %div3A_25 : vector<1024x1xf32>
    %sub3A_27 = vector.broadcast %div3A_17 : vector<1024x1xf32> to vector<1024x1024xf32>
    %sub3A_28 = arith.subf %add3A_9, %sub3A_27 : vector<1024x1024xf32>
    %add3A_29 = arith.constant 9.99999974E-6 : f32
    %add3A_30 = vector.broadcast %add3A_29 : f32 to vector<1024x1xf32>
    %add3A_31 = arith.addf %div3A_26, %add3A_30 : vector<1024x1xf32>
    %rsqrt3A = math.rsqrt %add3A_31 : vector<1024x1xf32>
    %mul3A_32 = vector.broadcast %rsqrt3A : vector<1024x1xf32> to vector<1024x1024xf32>
    %mul3A_33 = arith.mulf %sub3A_28, %mul3A_32 : vector<1024x1024xf32>
    %broadcast_in_dim3A_34 = vector.shape_cast %get3A_11 : vector<1024xf32> to vector<1x1024xf32>
    %mul3A_35 = vector.broadcast %broadcast_in_dim3A_34 : vector<1x1024xf32> to vector<1024x1024xf32>
    %mul3A_36 = arith.mulf %mul3A_33, %mul3A_35 : vector<1024x1024xf32>
    %broadcast_in_dim3A_37 = vector.shape_cast %get3A_13 : vector<1024xf32> to vector<1x1024xf32>
    %add3A_38 = vector.broadcast %broadcast_in_dim3A_37 : vector<1x1024xf32> to vector<1024x1024xf32>
    %add3A_39 = arith.addf %mul3A_36, %add3A_38 : vector<1024x1024xf32>
    %max3A = arith.constant 0.000000e+00 : f32
    %max3A_40 = vector.broadcast %max3A : f32 to vector<1024x1024xf32>
    %max3A_41 = arith.maximumf %add3A_39, %max3A_40 : vector<1024x1024xf32>
    %convert_element_type3A_42 = arith.truncf %max3A_41 : vector<1024x1024xf32> to vector<1024x1024xbf16>
    %get3A_43 = arith.constant 0 : index
    %get3A_44 = arith.constant 0 : index
    %get3A_45 = vector.load %arg6[%get3A_43, %get3A_44] : memref<1024x512xf32, #tpu.memory_space<vmem>>, vector<1024x512xf32>
    %convert_element_type3A_46 = arith.truncf %get3A_45 : vector<1024x512xf32> to vector<1024x512xbf16>
    %dot_general3A_47 = arith.constant dense<0.000000e+00> : vector<1024x512xf32>
    %dot_general3A_48 = tpu.matmul %convert_element_type3A_42, %convert_element_type3A_46, %dot_general3A_47 {dimension_numbers = #tpu.dot_dimension_numbers<[1], [0], [0], [1], [0, 0, 1, 1], [], []>, transpose_lhs_hint = false} : vector<1024x1024xbf16>, vector<1024x512xbf16>, vector<1024x512xf32> -> vector<1024x512xf32>
    %get3A_49 = arith.constant 0 : index
    %get3A_50 = vector.load %arg7[%get3A_49] : memref<512xf32, #tpu.memory_space<vmem>>, vector<512xf32>
    %broadcast_in_dim3A_51 = vector.shape_cast %get3A_50 : vector<512xf32> to vector<1x512xf32>
    %add3A_52 = vector.broadcast %broadcast_in_dim3A_51 : vector<1x512xf32> to vector<1024x512xf32>
    %add3A_53 = arith.addf %dot_general3A_48, %add3A_52 : vector<1024x512xf32>
    %max3A_54 = arith.constant 0.000000e+00 : f32
    %max3A_55 = vector.broadcast %max3A_54 : f32 to vector<1024x512xf32>
    %max3A_56 = arith.maximumf %add3A_53, %max3A_55 : vector<1024x512xf32>
    %convert_element_type3A_57 = arith.truncf %max3A_56 : vector<1024x512xf32> to vector<1024x512xbf16>
    %get3A_58 = arith.constant 0 : index
    %get3A_59 = arith.constant 0 : index
    %get3A_60 = vector.load %arg8[%get3A_58, %get3A_59] : memref<512x1xf32, #tpu.memory_space<vmem>>, vector<512x1xf32>
    %convert_element_type3A_61 = arith.truncf %get3A_60 : vector<512x1xf32> to vector<512x1xbf16>
    %dot_general3A_62 = arith.constant dense<0.000000e+00> : vector<1024x1xf32>
    %dot_general3A_63 = tpu.matmul %convert_element_type3A_57, %convert_element_type3A_61, %dot_general3A_62 {dimension_numbers = #tpu.dot_dimension_numbers<[1], [0], [0], [1], [0, 0, 1, 1], [], []>, transpose_lhs_hint = false} : vector<1024x512xbf16>, vector<512x1xbf16>, vector<1024x1xf32> -> vector<1024x1xf32>
    %get3A_64 = arith.constant 0 : index
    %get3A_65 = vector.load %arg9[%get3A_64] : memref<1xf32, #tpu.memory_space<vmem>>, vector<1xf32>
    %broadcast_in_dim3A_66 = vector.shape_cast %get3A_65 : vector<1xf32> to vector<1x1xf32>
    %add3A_67 = vector.broadcast %broadcast_in_dim3A_66 : vector<1x1xf32> to vector<1024x1xf32>
    %add3A_68 = arith.addf %dot_general3A_63, %add3A_67 : vector<1024x1xf32>
    %swap3A = arith.constant 0 : index
    %swap3A_69 = arith.constant 0 : index
    %swap3A_70 = vector.load %arg10[%swap3A, %swap3A_69] : memref<1024x1xf32, #tpu.memory_space<vmem>>, vector<1024x1xf32>
    tpu.vector_store %arg10[%swap3A, %swap3A_69], %add3A_68 {strides = array<i32>} : memref<1024x1xf32, #tpu.memory_space<vmem>>, vector<1024x1xf32>,
    return
  }
  func.func @transform_0(%arg0: i32) -> (i32, i32) {
    %c0_i32 = arith.constant 0 : i32
    %c0_i32_0 = arith.constant 0 : i32
    return %arg0, %c0_i32 : i32, i32
  }
  func.func @transform_1(%arg0: i32) -> (i32, i32) {
    %c0_i32 = arith.constant 0 : i32
    %c0_i32_0 = arith.constant 0 : i32
    %c0_i32_1 = arith.constant 0 : i32
    return %c0_i32, %c0_i32_0 : i32, i32
  }
  func.func @transform_2(%arg0: i32) -> i32 {
    %c0_i32 = arith.constant 0 : i32
    %c0_i32_0 = arith.constant 0 : i32
    return %c0_i32 : i32
  }
  func.func @transform_3(%arg0: i32) -> i32 {
    %c0_i32 = arith.constant 0 : i32
    %c0_i32_0 = arith.constant 0 : i32
    return %c0_i32 : i32
  }
  func.func @transform_4(%arg0: i32) -> i32 {
    %c0_i32 = arith.constant 0 : i32
    %c0_i32_0 = arith.constant 0 : i32
    return %c0_i32 : i32
  }
  func.func @transform_5(%arg0: i32) -> (i32, i32) {
    %c0_i32 = arith.constant 0 : i32
    %c0_i32_0 = arith.constant 0 : i32
    %c0_i32_1 = arith.constant 0 : i32
    return %c0_i32, %c0_i32_0 : i32, i32
  }
  func.func @transform_6(%arg0: i32) -> i32 {
    %c0_i32 = arith.constant 0 : i32
    %c0_i32_0 = arith.constant 0 : i32
    return %c0_i32 : i32
  }
  func.func @transform_7(%arg0: i32) -> (i32, i32) {
    %c0_i32 = arith.constant 0 : i32
    %c0_i32_0 = arith.constant 0 : i32
    %c0_i32_1 = arith.constant 0 : i32
    return %c0_i32, %c0_i32_0 : i32, i32
  }
  func.func @transform_8(%arg0: i32) -> i32 {
    %c0_i32 = arith.constant 0 : i32
    %c0_i32_0 = arith.constant 0 : i32
    return %c0_i32 : i32
  }
  func.func @transform_9(%arg0: i32) -> (i32, i32) {
    %c0_i32 = arith.constant 0 : i32
    %c0_i32_0 = arith.constant 0 : i32
    return %arg0, %c0_i32 : i32, i32
  }
}

module attributes {stable_mosaic.version = 14 : i64} {
  func.func @_combine_body(%arg0: i32, %arg1: memref<1024x128xf32, #tpu.memory_space<vmem>>, %arg2: memref<1024x128xf32, #tpu.memory_space<vmem>>, %arg3: memref<1024x1xf32, #tpu.memory_space<vmem>>, %arg4: memref<1024x1xf32, #tpu.memory_space<vmem>>, %arg5: memref<1024x8xf32, #tpu.memory_space<vmem>>, %arg6: memref<1024x8xf32, #tpu.memory_space<vmem>>) attributes {dimension_semantics = [#tpu.dimension_semantics<arbitrary>], iteration_bounds = array<i64: 4>, scalar_prefetch = 0 : i64, scratch_operands = 0 : i64, tpu.core_type = #tpu.core_type<tc>, window_params = [{transform_indices = @transform_0, window_bounds = array<i64: 1024, 128>}, {transform_indices = @transform_1, window_bounds = array<i64: 1024, 128>}, {transform_indices = @transform_2, window_bounds = array<i64: 1024, 1>}, {transform_indices = @transform_3, window_bounds = array<i64: 1024, 1>}, {transform_indices = @transform_4, window_bounds = array<i64: 1024, 8>}, {transform_indices = @transform_5, window_bounds = array<i64: 1024, 8>}]} {
    %get3A = arith.constant 0 : index
    %get3A_0 = arith.constant 0 : index
    %get3A_1 = vector.load %arg3[%get3A, %get3A_0] : memref<1024x1xf32, #tpu.memory_space<vmem>>, vector<1024x1xf32>
    %get3A_2 = arith.constant 0 : index
    %get3A_3 = arith.constant 0 : index
    %get3A_4 = vector.load %arg1[%get3A_2, %get3A_3] : memref<1024x128xf32, #tpu.memory_space<vmem>>, vector<1024x16xf32>
    %mul3A = vector.broadcast %get3A_1 : vector<1024x1xf32> to vector<1024x16xf32>
    %mul3A_5 = arith.mulf %mul3A, %get3A_4 : vector<1024x16xf32>
    %get3A_6 = arith.constant 0 : index
    %get3A_7 = arith.constant 0 : index
    %get3A_8 = vector.load %arg4[%get3A_6, %get3A_7] : memref<1024x1xf32, #tpu.memory_space<vmem>>, vector<1024x1xf32>
    %get3A_9 = arith.constant 0 : index
    %get3A_10 = arith.constant 0 : index
    %get3A_11 = vector.load %arg2[%get3A_9, %get3A_10] : memref<1024x128xf32, #tpu.memory_space<vmem>>, vector<1024x16xf32>
    %mul3A_12 = vector.broadcast %get3A_8 : vector<1024x1xf32> to vector<1024x16xf32>
    %mul3A_13 = arith.mulf %mul3A_12, %get3A_11 : vector<1024x16xf32>
    %add3A = arith.addf %mul3A_5, %mul3A_13 : vector<1024x16xf32>
    %slice3A = vector.extract_strided_slice %add3A {offsets = [0, 0], sizes = [1024, 8], strides = [1, 1]} : vector<1024x16xf32> to vector<1024x8xf32>
    %custom_jvp_call3A = arith.constant 0.000000e+00 : f32
    %max3A = vector.broadcast %custom_jvp_call3A : f32 to vector<1024x8xf32>
    %max3A_14 = arith.maximumf %slice3A, %max3A : vector<1024x8xf32>
    %sub3A = vector.broadcast %custom_jvp_call3A : f32 to vector<1024x8xf32>
    %sub3A_15 = arith.subf %slice3A, %sub3A : vector<1024x8xf32>
    %ne3A = arith.cmpf one, %sub3A_15, %sub3A_15 : vector<1024x8xf32>
    %add3A_16 = vector.broadcast %custom_jvp_call3A : f32 to vector<1024x8xf32>
    %add3A_17 = arith.addf %slice3A, %add3A_16 : vector<1024x8xf32>
    %abs3A = math.absf %sub3A_15 : vector<1024x8xf32>
    %neg3A = arith.constant 0.000000e+00 : f32
    %neg3A_18 = vector.broadcast %neg3A : f32 to vector<1024x8xf32>
    %neg3A_19 = arith.subf %neg3A_18, %abs3A : vector<1024x8xf32>
    %exp3A = math.exp %neg3A_19 : vector<1024x8xf32>
    %log1p3A = math.log1p %exp3A : vector<1024x8xf32>
    %add3A_20 = arith.addf %max3A_14, %log1p3A : vector<1024x8xf32>
    %select_n3A = arith.select %ne3A, %add3A_17, %add3A_20 : vector<1024x8xi1>, vector<1024x8xf32>
    %add3A_21 = arith.constant 1.000000e+00 : f32
    %add3A_22 = vector.broadcast %add3A_21 : f32 to vector<1024x8xf32>
    %add3A_23 = arith.addf %select_n3A, %add3A_22 : vector<1024x8xf32>
    %swap3A = arith.constant 0 : index
    %swap3A_24 = arith.constant 0 : index
    %swap3A_25 = vector.load %arg5[%swap3A, %swap3A_24] : memref<1024x8xf32, #tpu.memory_space<vmem>>, vector<1024x8xf32>
    tpu.vector_store %arg5[%swap3A, %swap3A_24], %add3A_23 {strides = array<i32>} : memref<1024x8xf32, #tpu.memory_space<vmem>>, vector<1024x8xf32>,
    %slice3A_26 = vector.extract_strided_slice %add3A {offsets = [0, 8], sizes = [1024, 8], strides = [1, 1]} : vector<1024x16xf32> to vector<1024x8xf32>
    %custom_jvp_call3A_27 = arith.constant 0.000000e+00 : f32
    %max3A_28 = vector.broadcast %custom_jvp_call3A_27 : f32 to vector<1024x8xf32>
    %max3A_29 = arith.maximumf %slice3A_26, %max3A_28 : vector<1024x8xf32>
    %sub3A_30 = vector.broadcast %custom_jvp_call3A_27 : f32 to vector<1024x8xf32>
    %sub3A_31 = arith.subf %slice3A_26, %sub3A_30 : vector<1024x8xf32>
    %ne3A_32 = arith.cmpf one, %sub3A_31, %sub3A_31 : vector<1024x8xf32>
    %add3A_33 = vector.broadcast %custom_jvp_call3A_27 : f32 to vector<1024x8xf32>
    %add3A_34 = arith.addf %slice3A_26, %add3A_33 : vector<1024x8xf32>
    %abs3A_35 = math.absf %sub3A_31 : vector<1024x8xf32>
    %neg3A_36 = arith.constant 0.000000e+00 : f32
    %neg3A_37 = vector.broadcast %neg3A_36 : f32 to vector<1024x8xf32>
    %neg3A_38 = arith.subf %neg3A_37, %abs3A_35 : vector<1024x8xf32>
    %exp3A_39 = math.exp %neg3A_38 : vector<1024x8xf32>
    %log1p3A_40 = math.log1p %exp3A_39 : vector<1024x8xf32>
    %add3A_41 = arith.addf %max3A_29, %log1p3A_40 : vector<1024x8xf32>
    %select_n3A_42 = arith.select %ne3A_32, %add3A_34, %add3A_41 : vector<1024x8xi1>, vector<1024x8xf32>
    %add3A_43 = arith.constant 1.000000e+00 : f32
    %add3A_44 = vector.broadcast %add3A_43 : f32 to vector<1024x8xf32>
    %add3A_45 = arith.addf %select_n3A_42, %add3A_44 : vector<1024x8xf32>
    %swap3A_46 = arith.constant 0 : index
    %swap3A_47 = arith.constant 0 : index
    %swap3A_48 = vector.load %arg6[%swap3A_46, %swap3A_47] : memref<1024x8xf32, #tpu.memory_space<vmem>>, vector<1024x8xf32>
    tpu.vector_store %arg6[%swap3A_46, %swap3A_47], %add3A_45 {strides = array<i32>} : memref<1024x8xf32, #tpu.memory_space<vmem>>, vector<1024x8xf32>,
    return
  }
  func.func @transform_0(%arg0: i32) -> (i32, i32) {
    %c0_i32 = arith.constant 0 : i32
    %c0_i32_0 = arith.constant 0 : i32
    return %arg0, %c0_i32 : i32, i32
  }
  func.func @transform_1(%arg0: i32) -> (i32, i32) {
    %c0_i32 = arith.constant 0 : i32
    %c0_i32_0 = arith.constant 0 : i32
    return %arg0, %c0_i32 : i32, i32
  }
  func.func @transform_2(%arg0: i32) -> (i32, i32) {
    %c0_i32 = arith.constant 0 : i32
    %c0_i32_0 = arith.constant 0 : i32
    return %arg0, %c0_i32 : i32, i32
  }
  func.func @transform_3(%arg0: i32) -> (i32, i32) {
    %c0_i32 = arith.constant 0 : i32
    %c0_i32_0 = arith.constant 0 : i32
    return %arg0, %c0_i32 : i32, i32
  }
  func.func @transform_4(%arg0: i32) -> (i32, i32) {
    %c0_i32 = arith.constant 0 : i32
    %c0_i32_0 = arith.constant 0 : i32
    return %arg0, %c0_i32 : i32, i32
  }
  func.func @transform_5(%arg0: i32) -> (i32, i32) {
    %c0_i32 = arith.constant 0 : i32
    %c0_i32_0 = arith.constant 0 : i32
    return %arg0, %c0_i32 : i32, i32
  }
}

</mosaic_0001>

<sc_bundles>
// kernel: kernel.11.cloned.1.call-start
scs
__scs_entry_jumppad:
0x0: {  	(pc) =	sbr.rel $0x88, $3  }
0x1: {  	(tag) =	ssettag $0x0;
	lr =	simm.s32 $0x1  }
0x2: {  	[smem:$0x3F8A] =	sst lr;
	_ =	strace $0xD0000000  }
0x3: {  	_ = 	snop  }
0x4: {  	_ = 	snop  }
0x5: {  	_ = 	snop  }
0x6: {  	_ = 	snop  }
0x7: {  	_ = 	snop  }
__scs_overlays_trampoline_lowered:
0x8: {  	[smem:$0x3F99] =	sst s0  }
0x9: {  	[smem:$0x3F9A] =	sst s1  }
0xa: {  	[smem:$0x3F9B] =	sst s2  }
0xb: {  	[smem:$0x3F9C] =	sst s3  }
0xc: {  	[smem:$0x3F9D] =	sst s4  }
0xd: {  	[smem:$0x3F9E] =	sst s5  }
0xe: {  	[smem:$0x3F9F] =	sst s6  }
0xf: {  	[smem:$0x3FA0] =	sst s7  }
0x10: {  	[smem:$0x3FA1] =	sst s8  }
0x11: {  	[smem:$0x3FA2] =	sst s9;
	s0 =	simm.s32 @!p0 $0x0  }
0x12: {  	s1 =	sld [smem:$0x3F88];
	s0 =	simm.s32 @p0 $0x1  }
0x13: {  	[smem:$0x3FA3] =	sst s0;
	s0 =	simm.s32 @!p1 $0x0  }
0x14: {  	s2 =	sld [smem:$0x3F87];
	s0 =	simm.s32 @p1 $0x1  }
0x15: {  	[smem:$0x3FA4] =	sst s0;
	s0 =	simm.s32 @!p2 $0x0  }
0x16: {  	s3 =	sld [smem:$0x3FDB];
	s0 =	simm.s32 @p2 $0x1  }
0x17: {  	s4 =	simm.s32 $0x1BF5;
	[smem:$0x3FA6] =	sst s0  }
0x18: {  	s0 =	sld [smem:$0x3F89];
	_ =	swait.ge [sflag:s4], $0x0  }
0x19: {  	s7 =	sld [smem:$0x3F8A]  }
0x1a: {  	s8 =	sadd.s32 $0xFFFFE003, lr  }
0x1b: {  	s9 =	sadd.s32 $0xFFFFFEF7, lr;
	s5 =	simm.s32 $0xFFFFFFFF;
	p2 =	slt.u32 s8, $0xFFFFF086  }
0x1c: {  	p1 =	slt.u32 s9, $0xF7A;
	s5 =	simm.s32 @!p2 $0x0  }
0x1d: {  	s5 =	simm.s32 @p1 $0x1;
	p0 =	seq.s32 s7, s2  }
0x1e: {  	s7 =	smul.u32 @!p0 $0xF7A, s2;
	p2 =	seq.s32 @!p0 s5, $0x0  }
0x1f: {  	s9 =	smul.u32 $0xF7A, s1;
	s8 =	simm.s32 @!p0 $0x1BF5;
	p2 =	por !p2, p0  }
0x20: {  	[sflag:s8] =	ssyncset.s32 @!p0 $0xFFFFF086;
	s6 =	sadd.s32 @!p0 s3, s7;
	s7 =	simm.s32 @!p0 $0x108  }
0x21: {  	s3 =	sadd.s32 s3, s9;
	s6 =	sadd.s32 @!p0 $0x88, s6;
	s7 =	simm.s32 @p2 $0x1082  }
0x22: {  	[simem:s7], [sflag:s8] =	dma.local @!p0 [hbm:s6], $0xF7A  }
0x23: {  	s9 =	sor.u32 $0xD0000000, s2;
	s6 =	simm.s32 $0x108;
	_ =	swait.ge @!p0 [sflag:s8], $0x0  }
0x24: {  	s3 =	sadd.s32 $0x88, s3;
	s6 =	simm.s32 @!p1 $0x1082;
	[sflag:s4] =	ssyncset.s32 $0xFFFFF086  }
0x25: {  	[simem:s6], [sflag:s4] =	dma.local [hbm:s3], $0xF7A  }
0x26: {  	[smem:$0x3F8A] =	sst s1;
	(tag) =	ssettag s2;
	_ =	strace s9  }
0x27: {  	s1 =	sld [smem:$0x3F9A]  }
0x28: {  	s2 =	sld [smem:$0x3F9B]  }
0x29: {  	s4 =	sld [smem:$0x3F9D]  }
0x2a: {  	p0 =	seq.s32 s5, $0x0;
	s5 =	sld [smem:$0x3F9E]  }
0x2b: {  	s6 =	sld [smem:$0x3F9F]  }
0x2c: {  	s7 =	sld [smem:$0x3FA0]  }
0x2d: {  	s3 =	simm.s32 $0x108;
	s8 =	sld [smem:$0x3FA1]  }
0x2e: {  	s3 =	simm.s32 @!p0 $0x1082;
	s9 =	sld [smem:$0x3FA2]  }
0x2f: {  	lr =	sadd.s32 s0, s3;
	s0 =	sld [smem:$0x3F99]  }
0x30: {  	s3 =	sld [smem:$0x3F9C]  }
0x31: {  	[smem:$0x3FA5] =	sst s10  }
0x32: {  	s10 =	sld [smem:$0x3FA3];
	_ =	sdelay $0x3  }
0x33: {  	p0 =	seq.s32 s10, $0x1;
	s10 =	sld [smem:$0x3FA5];
	_ =	sdelay $0x3  }
0x34: {  	[smem:$0x3FA5] =	sst s10  }
0x35: {  	s10 =	sld [smem:$0x3FA4];
	_ =	sdelay $0x3  }
0x36: {  	p1 =	seq.s32 s10, $0x1;
	s10 =	sld [smem:$0x3FA5];
	_ =	sdelay $0x3  }
0x37: {  	[smem:$0x3FA5] =	sst s10  }
0x38: {  	s10 =	sld [smem:$0x3FA6]  }
0x39: {  	_ = 	snop;
	(pc) =	sbr.ind lr, $3  }
0x3a: {  	_ = 	snop  }
0x3b: {  	_ = 	snop  }
0x3c: {  	p2 =	seq.s32 s10, $0x1;
	s10 =	sld [smem:$0x3FA5]  }
0x3d: {  	_ =	shalt  }
0x3e: {  	_ =	shalt  }
0x3f: {  	_ =	shalt  }
0x40: {  	_ =	shalt  }
0x41: {  	_ =	shalt  }
0x42: {  	_ =	shalt  }
0x43: {  	_ =	shalt  }
0x44: {  	_ =	shalt  }
0x45: {  	_ =	shalt  }
0x46: {  	_ =	shalt  }
0x47: {  	_ =	shalt  }
0x48: {  	_ =	shalt  }
0x49: {  	_ =	shalt  }
0x4a: {  	_ =	shalt  }
0x4b: {  	_ =	shalt  }
0x4c: {  	_ =	shalt  }
0x4d: {  	_ =	shalt  }
0x4e: {  	_ =	shalt  }
0x4f: {  	_ =	shalt  }
0x50: {  	_ =	shalt  }
0x51: {  	_ =	shalt  }
0x52: {  	_ =	shalt  }
0x53: {  	_ =	shalt  }
0x54: {  	_ =	shalt  }
0x55: {  	_ =	shalt  }
0x56: {  	_ =	shalt  }
0x57: {  	_ =	shalt  }
0x58: {  	_ =	shalt  }
0x59: {  	_ =	shalt  }
0x5a: {  	_ =	shalt  }
0x5b: {  	_ =	shalt  }
0x5c: {  	_ =	shalt  }
0x5d: {  	_ =	shalt  }
0x5e: {  	_ =	shalt  }
0x5f: {  	_ =	shalt  }
0x60: {  	_ =	shalt  }
0x61: {  	_ =	shalt  }
0x62: {  	_ =	shalt  }
0x63: {  	_ =	shalt  }
0x64: {  	_ =	shalt  }
0x65: {  	_ =	shalt  }
0x66: {  	_ =	shalt  }
0x67: {  	_ =	shalt  }
0x68: {  	_ =	shalt  }
0x69: {  	_ =	shalt  }
0x6a: {  	_ =	shalt  }
0x6b: {  	_ =	shalt  }
0x6c: {  	_ =	shalt  }
0x6d: {  	_ =	shalt  }
0x6e: {  	_ =	shalt  }
0x6f: {  	_ =	shalt  }
0x70: {  	_ =	shalt  }
0x71: {  	_ =	shalt  }
0x72: {  	_ =	shalt  }
0x73: {  	_ =	shalt  }
0x74: {  	_ =	shalt  }
0x75: {  	_ =	shalt  }
0x76: {  	_ =	shalt  }
0x77: {  	_ =	shalt  }
0x78: {  	_ =	shalt  }
0x79: {  	_ =	shalt  }
0x7a: {  	_ =	shalt  }
0x7b: {  	_ =	shalt  }
0x7c: {  	_ =	shalt  }
0x7d: {  	_ =	shalt  }
0x7e: {  	_ =	shalt  }
0x7f: {  	_ =	shalt  }
0x80: {  	_ =	shalt  }
0x81: {  	_ =	shalt  }
0x82: {  	_ =	shalt  }
0x83: {  	_ =	shalt  }
0x84: {  	_ =	shalt  }
0x85: {  	_ =	shalt  }
0x86: {  	_ =	shalt  }
0x87: {  	_ =	shalt  }
.Lfunc_end0:
.L_simem_size_0:
called_computation.1_lowered:
.L_overlay_start_0:
0x88: {  	s2 =	sld [smem:$0x3FD9]  }
0x89: {  	s3 =	sld [smem:$0x3FFE];
	_ =	sdelay $0x1  }
0x8a: {  	s1 =	srdreg.scid  }
0x8b: {  	s0 =	sand.u32 $0x1, s1  }
0x8c: {  	s14 =	sshll.u32 s0, $0xA;
	s2 =	sadd.s32 s3, s2  }
0x8d: {  	s2 =	sadd.s32 s2, s14  }
0x8e: {  	[smem:$0x3FB1] =	sst s2  }
0x8f: {  	_ = 	snop  }
0x90: {  	s2 =	sld [smem:$0x3FD0];
	_ =	sdelay $0x2  }
0x91: {  	s15 =	simm.s32 $0xA;
	s4 =	simm.s32 $0x10  }
0x92: {  	[smem:s4], [sflag:s15] =	dma.local [hbm:s2], $0x1  }
0x93: {  	_ =	swait.eq [sflag:s15], $0x1  }
0x94: {  	[sflag:s15] =	ssyncset.done $0x0  }
0x95: {  	[sflag:s15] =	ssyncadd.s32 $0xFFFFFFFF  }
0x96: {  	s16 =	sld [smem:$0x11];
	(tm) =	ssettm $0x1  }
0x97: {  	s17 =	sld [smem:$0x3FFB];
	_ =	sdelay $0x3  }
0x98: {  	_ =	strace s17  }
0x99: {  	s3 =	sld [smem:$0x3FFC];
	_ =	sdelay $0x3  }
0x9a: {  	_ =	strace s3  }
0x9b: {  	s3 =	sld [smem:$0x3FFD];
	_ =	sdelay $0x3  }
0x9c: {  	_ =	strace s3  }
0x9d: {  	_ =	strace $0x8FFFFFFF  }
0x9e: {  	s18 =	sld [smem:$0x3FDB];
	_ =	sdelay $0x1  }
0x9f: {  	s19 =	simm.s32 $_scs_section_size  }
0xa0: {  	s5 =	simm.s32 $_size__tile_overlayer_lowered;
	s6 =	simm.s32 $_tile_overlayer_lowered  }
0xa1: {  	s22 =	simm.s32 $0x1BFF;
	s21 =	sshll.u32 s6, $0x1;
	s3 =	sadd.s32 s19, s18  }
0xa2: {  	s7 =	simm.s32 $0x0;
	s20 =	sshll.u32 s5, $0x1;
	s5 =	sadd.s32 s21, s3  }
0xa3: {  	[timem:s7], [sflag:s22] =	dma.local [hbm:s5], s20  }
0xa4: {  	_ =	swait.ge [sflag:s22], s20  }
0xa5: {  	s4 =	ssub.s32 $0x0, s20;
	[sflag:s22] =	ssyncset.done $0x0  }
0xa6: {  	[sflag:s22] =	ssyncadd.s32 s4;
	_ =	sdelay $0x1  }
0xa7: {  	s23 =	simm.s32 $0x1B8B  }
0xa8: {  	_ =	swait.ge [sflag:s23], $0x1  }
0xa9: {  	[sflag:s23] =	ssyncset.done $0x0  }
0xaa: {  	s25 =	simm.s32 $0x1B8E;
	s24 =	sld [smem:$0x3FFE];
	[sflag:s23] =	ssyncadd.s32 $0xFFFFFFFF  }
0xab: {  	s26 =	simm.s32 $execute0_lowered;
	[smem:$0x3FD2] =	sst s25  }
0xac: {  	s5 =	sshll.u32 s26, $0x1;
	_ =	strace $0x80000049;
	[dreg:$0x1] =	wrdreg $0xFFFFFFFF  }
0xad: {  	s28 =	simm.s32 $_size_execute0_lowered;
	s3 =	sadd.s32 s3, s5;
	[dreg:$0x0] =	wrdreg $0x0  }
0xae: {  	s5 =	sshll.u32 s28, $0x1;
	[dreg:$0x2] =	wrdreg s3  }
0xaf: {  	[dreg:$0x3] =	wrdreg s5  }
0xb0: {  	[dreg:$0x4] =	wrdreg $0xC0  }
0xb1: {  	_ =	task [dreg:s7], $0x5FFFF  }
0xb2: {  	[dreg:$0x1] =	wrdreg $0xFFFFFFFF  }
0xb3: {  	[dreg:$0x0] =	wrdreg $0x60  }
0xb4: {  	[dreg:$0x2] =	wrdreg s24  }
0xb5: {  	[dreg:$0x3] =	wrdreg s16  }
0xb6: {  	[dreg:$0x4] =	wrdreg $0x9  }
0xb7: {  	_ =	task.clear_ibuf [dreg:s7], $0x5FFFF;
	_ =	strace $0x90000049  }
0xb8: {  	s29 =	simm.s32 $0x9;
	_ =	strace $0x8000004B  }
0xb9: {  	_ =	swait.ge [sflag:s29], $0x1  }
0xba: {  	[sflag:s29] =	ssyncadd.s32 $0xFFFFFFFF  }
0xbb: {  	_ =	strace $0x9000004B  }
0xbc: {  	_ =	sfence  }
0xbd: {  	s30 =	sld [smem:$0x0];
	_ =	sdelay $0x2  }
0xbe: {  	s31 =	sshll.u32 s1, $0xD;
	s1 =	sshrl.u32 s1, $0x2  }
0xbf: {  	s3 =	sand.u32 $0x4000, s31;
	s1 =	sadd.s32 s1, s30  }
0xc0: {  	s0 =	sor.u32 s3, s0;
	s1 =	sshll.u32 s1, $0x11  }
0xc1: {  	s0 =	sor.u32 s1, s0  }
0xc2: {  	s0 =	sadd.s32 $0x8F2B, s0  }
0xc3: {  	[sflag:s0] =	ssyncadd.remote.s32 $0x1  }
0xc4: {  	_ =	sfence.sel $0xFFFF  }
0xc5: {  	[dreg:$0x0] =	wrdreg $0xFFFFFFFF;
	(pc) =	sbr.abs _section_cstart, $3  }
0xc6: {  	[dreg:$0x1] =	wrdreg $0xFFFFFFFF  }
0xc7: {  	_ =	task.clear_ibuf [dreg:s7], $0x2FFFF;
	_ =	strace $0x9FFFFFFF  }
0xc8: {  	(tm) =	ssettm $0x7FFFFFFF  }
0xc9: {  	_ =	shalt  }
tec
execute0_lowered:
.L_overlay_start_1:
0x0: {  	(tag) =	ssettag $0x1  }
0x1: {  	s1 =	srdreg.scid  }
0x2: {  	s8 =	rddreg [dreg:$0x0];
	s0 =	stileid.u32;
	s10 =	sand.u32 $0x1, s1  }
0x3: {  	s3 =	rddreg [dreg:$0x1];
	s4 =	sshll.u32 s0, $0x8;
	s5 =	sshll.u32 s10, $0x7  }
0x4: {  	s2 =	simm.s32 $0x0;
	s1 =	rddreg [dreg:$0x2];
	s9 =	sor.u32 s5, s4  }
0x5: {  	[smem:$0x7FF] =	sst s2;
	s4 =	sshrl.u32 s9, $0x3  }
0x6: {  	_ =	strace $0x8000004A;
	s4 =	sadd.s32 s3, s4;
	s3 =	simm.s32 $0x2  }
0x7: {  	[tilespmem:s2], [sflag:$0x2] =	stream.linear.gather [hbm4b:s4+s2], $0x80, $0x38;
	[tilespmem:$0x4080] =	vst v63  }
0x8: {  	_ =	swait.ge [sflag:s3], $0x80  }
0x9: {  	s6 =	simm.s32 $0x80;
	[sflag:s3] =	ssyncset.done $0x0  }
0xa: {  	s7 =	simm.s32 $0x1;
	s5 =	sadd.s32 $0x3400, s8;
	[sflag:s3] =	ssyncadd.s32 $0xFFFFFF80  }
0xb: {  	[tilespmem:s6], [sflag:$0x1] =	stream.indirect.gather [hbm4b:s5+s6], $0x80, s2, s6, $0xb8;
	[tilespmem:$0x4080] =	vst v63  }
0xc: {  	s9 =	sshll.u32 s9, $0x4;
	_ =	swait.ge [sflag:s7], $0x4000  }
0xd: {  	s11 =	sadd.s32 s9, s8;
	[sflag:s7] =	ssyncset.done $0x0  }
0xe: {  	s8 =	sadd.s32 $0x2B400, s11;
	[sflag:s7] =	ssyncadd.s32 $0xFFFFC000  }
0xf: {  	[hbm4b:s8+s2] =	stream.linear.scatter [tilespmem:s6], [sflag:$0x2], $0x4000, $0x38;
	[tilespmem:$0x4080] =	vst v63  }
0x10: {  	_ =	swait.ge [sflag:s3], $0x4000  }
0x11: {  	[sflag:s3] =	ssyncset.done $0x0  }
0x12: {  	s10 =	ssub.s32 $0x2, s10;
	s9 =	sadd.s32 $0x200, s4;
	[sflag:s3] =	ssyncadd.s32 $0xFFFFC000  }
0x13: {  	[tilespmem:s2], [sflag:$0x2] =	stream.linear.gather [hbm4b:s9+s2], $0x80, $0x38;
	[tilespmem:$0x4080] =	vst v63  }
0x14: {  	s12 =	sshrl.u32 s10, $0x1;
	_ =	swait.ge [sflag:s3], $0x80  }
0x15: {  	s12 =	ssub.s32 s10, s12;
	[sflag:s3] =	ssyncset.done $0x0  }
0x16: {  	s31 =	smax.u32 s12, $0x1;
	[sflag:s3] =	ssyncadd.s32 $0xFFFFFF80  }
0x17: {  	[tilespmem:s6], [sflag:$0x1] =	stream.indirect.gather [hbm4b:s5+s6], $0x80, s2, s6, $0xb8;
	[tilespmem:$0x4080] =	vst v63  }
0x18: {  	p0 =	sne.s32 s31, $0x1;
	_ =	swait.ge [sflag:s7], $0x4000  }
.Ltmp0:
0x19: {  	[sflag:s7] =	ssyncset.done $0x0;
	(pc) =	sbr.rel @!p0 .LBB2_2-.Ltmp0, $4  }
0x1a: {  	s10 =	sadd.s32 $0x3B400, s11;
	[sflag:s7] =	ssyncadd.s32 $0xFFFFC000  }
0x1b: {  	[hbm4b:s10+s2] =	stream.linear.scatter [tilespmem:s6], [sflag:$0x2], $0x4000, $0x38;
	[tilespmem:$0x4080] =	vst v63  }
0x1c: {  	_ =	swait.ge [sflag:s3], $0x4000  }
0x1d: {  	s11 =	sadd.s32 $0xFFFFFFFF, s31;
	[sflag:s3] =	ssyncset.done $0x0  }
.LBB2_1:
0x1e: {  	p0 =	sne.s32 s11, $0x1;
	s11 =	sadd.s32 $0xFFFFFFFF, s11;
	[sflag:s3] =	ssyncadd.s32 $0xFFFFC000  }
0x1f: {  	[tilespmem:s2], [sflag:$0x2] =	stream.linear.gather [hbm4b:s4+s2], $0x80, $0x38;
	[tilespmem:$0x4080] =	vst v63  }
0x20: {  	_ =	swait.ge [sflag:s3], $0x80  }
0x21: {  	[sflag:s3] =	ssyncset.done $0x0  }
0x22: {  	[sflag:s3] =	ssyncadd.s32 $0xFFFFFF80  }
0x23: {  	[tilespmem:s6], [sflag:$0x1] =	stream.indirect.gather [hbm4b:s5+s6], $0x80, s2, s6, $0xb8;
	[tilespmem:$0x4080] =	vst v63  }
0x24: {  	_ =	swait.ge [sflag:s7], $0x4000  }
0x25: {  	[sflag:s7] =	ssyncset.done $0x0  }
0x26: {  	[sflag:s7] =	ssyncadd.s32 $0xFFFFC000  }
0x27: {  	[hbm4b:s8+s2] =	stream.linear.scatter [tilespmem:s6], [sflag:$0x2], $0x4000, $0x38;
	[tilespmem:$0x4080] =	vst v63  }
0x28: {  	_ =	swait.ge [sflag:s3], $0x4000  }
0x29: {  	[sflag:s3] =	ssyncset.done $0x0  }
0x2a: {  	[sflag:s3] =	ssyncadd.s32 $0xFFFFC000  }
0x2b: {  	[tilespmem:s2], [sflag:$0x2] =	stream.linear.gather [hbm4b:s9+s2], $0x80, $0x38;
	[tilespmem:$0x4080] =	vst v63  }
0x2c: {  	_ =	swait.ge [sflag:s3], $0x80  }
0x2d: {  	[sflag:s3] =	ssyncset.done $0x0  }
0x2e: {  	[sflag:s3] =	ssyncadd.s32 $0xFFFFFF80  }
0x2f: {  	[tilespmem:s6], [sflag:$0x1] =	stream.indirect.gather [hbm4b:s5+s6], $0x80, s2, s6, $0xb8;
	[tilespmem:$0x4080] =	vst v63  }
0x30: {  	_ =	swait.ge [sflag:s7], $0x4000  }
.Ltmp1:
0x31: {  	[sflag:s7] =	ssyncset.done $0x0;
	(pc) =	sbr.rel @p0 .LBB2_1-.Ltmp1, $4  }
0x32: {  	[sflag:s7] =	ssyncadd.s32 $0xFFFFC000  }
0x33: {  	[hbm4b:s10+s2] =	stream.linear.scatter [tilespmem:s6], [sflag:$0x2], $0x4000, $0x38;
	[tilespmem:$0x4080] =	vst v63  }
0x34: {  	_ =	swait.ge [sflag:s3], $0x4000  }
0x35: {  	[sflag:s3] =	ssyncset.done $0x0  }
.LBB2_2:
0x36: {  	[sflag:s3] =	ssyncadd.s32 $0xFFFFC000  }
0x37: {  	_ =	sfence.sel $0x180000  }
0x38: {  	[bflag:$0x0] =	sbarrier.arrive $0xFFFF  }
0x39: {  	p0 =	sne.s32 s0, $0x0;
	_ =	strace $0x9000004A  }
0x3a: {  	s0 =	sadd.s32 @!p0 $0x100000, s1;
	[bflag:$0x2] =	sbarrier.arrive $0xFFFF  }
0x3b: {  	[sflag:s0] =	ssyncadd.tile.s32 @!p0 $0x1;
	_ =	shalt  }
.Lfunc_end2:
_tile_overlayer_lowered:
.L_overlay_start_2:
0x3c: {  	(tag) =	ssettag $0x2  }
0x3d: {  	s0 =	rddreg [dreg:$0x0];
	s2 =	stileid.u32  }
0x3e: {  	s1 =	rddreg [dreg:$0x1];
	p0 =	sne.s32 s2, $0x0  }
0x3f: {  	s3 =	rddreg [dreg:$0x2];
	[bflag:$0x3] =	sbarrier.arrive $0xFFFF;
	s2 =	simm.s32 @!p0 $0x1C02  }
0x40: {  	[timem:s3], [sflag:s2] =	dma.local @!p0 [hbm:s0], s1  }
0x41: {  	s0 =	simm.s32 @!p0 $0x2  }
0x42: {  	_ =	swait.ge @!p0 [sflag:s0], s1  }
0x43: {  	s1 =	ssub.s32 @!p0 $0x0, s1;
	[sflag:s0] =	ssyncset.done @!p0 $0x0  }
0x44: {  	[sflag:s0] =	ssyncadd.s32 @!p0 s1  }
0x45: {  	[bflag:$0x3] =	sbarrier.arrive $0xFFFF  }
0x46: {  	_ =	shalt  }

// kernel: kernel.8.cloned.1.call-start
scs
__scs_entry_jumppad:
0x0: {  	(pc) =	sbr.rel $0x88, $3  }
0x1: {  	(tag) =	ssettag $0x0;
	lr =	simm.s32 $0x1  }
0x2: {  	[smem:$0x3F8A] =	sst lr;
	_ =	strace $0xD0000000  }
0x3: {  	_ = 	snop  }
0x4: {  	_ = 	snop  }
0x5: {  	_ = 	snop  }
0x6: {  	_ = 	snop  }
0x7: {  	_ = 	snop  }
__scs_overlays_trampoline_lowered:
0x8: {  	[smem:$0x3F99] =	sst s0  }
0x9: {  	[smem:$0x3F9A] =	sst s1  }
0xa: {  	[smem:$0x3F9B] =	sst s2  }
0xb: {  	[smem:$0x3F9C] =	sst s3  }
0xc: {  	[smem:$0x3F9D] =	sst s4  }
0xd: {  	[smem:$0x3F9E] =	sst s5  }
0xe: {  	[smem:$0x3F9F] =	sst s6  }
0xf: {  	[smem:$0x3FA0] =	sst s7  }
0x10: {  	[smem:$0x3FA1] =	sst s8  }
0x11: {  	[smem:$0x3FA2] =	sst s9;
	s0 =	simm.s32 @!p0 $0x0  }
0x12: {  	s1 =	sld [smem:$0x3F88];
	s0 =	simm.s32 @p0 $0x1  }
0x13: {  	[smem:$0x3FA3] =	sst s0;
	s0 =	simm.s32 @!p1 $0x0  }
0x14: {  	s2 =	sld [smem:$0x3F87];
	s0 =	simm.s32 @p1 $0x1  }
0x15: {  	[smem:$0x3FA4] =	sst s0;
	s0 =	simm.s32 @!p2 $0x0  }
0x16: {  	s3 =	sld [smem:$0x3FDB];
	s0 =	simm.s32 @p2 $0x1  }
0x17: {  	s4 =	simm.s32 $0x1BF5;
	[smem:$0x3FA6] =	sst s0  }
0x18: {  	s0 =	sld [smem:$0x3F89];
	_ =	swait.ge [sflag:s4], $0x0  }
0x19: {  	s7 =	sld [smem:$0x3F8A]  }
0x1a: {  	s8 =	sadd.s32 $0xFFFFE003, lr  }
0x1b: {  	s9 =	sadd.s32 $0xFFFFFEF7, lr;
	s5 =	simm.s32 $0xFFFFFFFF;
	p2 =	slt.u32 s8, $0xFFFFF086  }
0x1c: {  	p1 =	slt.u32 s9, $0xF7A;
	s5 =	simm.s32 @!p2 $0x0  }
0x1d: {  	s5 =	simm.s32 @p1 $0x1;
	p0 =	seq.s32 s7, s2  }
0x1e: {  	s7 =	smul.u32 @!p0 $0xF7A, s2;
	p2 =	seq.s32 @!p0 s5, $0x0  }
0x1f: {  	s9 =	smul.u32 $0xF7A, s1;
	s8 =	simm.s32 @!p0 $0x1BF5;
	p2 =	por !p2, p0  }
0x20: {  	[sflag:s8] =	ssyncset.s32 @!p0 $0xFFFFF086;
	s6 =	sadd.s32 @!p0 s3, s7;
	s7 =	simm.s32 @!p0 $0x108  }
0x21: {  	s3 =	sadd.s32 s3, s9;
	s6 =	sadd.s32 @!p0 $0x88, s6;
	s7 =	simm.s32 @p2 $0x1082  }
0x22: {  	[simem:s7], [sflag:s8] =	dma.local @!p0 [hbm:s6], $0xF7A  }
0x23: {  	s9 =	sor.u32 $0xD0000000, s2;
	s6 =	simm.s32 $0x108;
	_ =	swait.ge @!p0 [sflag:s8], $0x0  }
0x24: {  	s3 =	sadd.s32 $0x88, s3;
	s6 =	simm.s32 @!p1 $0x1082;
	[sflag:s4] =	ssyncset.s32 $0xFFFFF086  }
0x25: {  	[simem:s6], [sflag:s4] =	dma.local [hbm:s3], $0xF7A  }
0x26: {  	[smem:$0x3F8A] =	sst s1;
	(tag) =	ssettag s2;
	_ =	strace s9  }
0x27: {  	s1 =	sld [smem:$0x3F9A]  }
0x28: {  	s2 =	sld [smem:$0x3F9B]  }
0x29: {  	s4 =	sld [smem:$0x3F9D]  }
0x2a: {  	p0 =	seq.s32 s5, $0x0;
	s5 =	sld [smem:$0x3F9E]  }
0x2b: {  	s6 =	sld [smem:$0x3F9F]  }
0x2c: {  	s7 =	sld [smem:$0x3FA0]  }
0x2d: {  	s3 =	simm.s32 $0x108;
	s8 =	sld [smem:$0x3FA1]  }
0x2e: {  	s3 =	simm.s32 @!p0 $0x1082;
	s9 =	sld [smem:$0x3FA2]  }
0x2f: {  	lr =	sadd.s32 s0, s3;
	s0 =	sld [smem:$0x3F99]  }
0x30: {  	s3 =	sld [smem:$0x3F9C]  }
0x31: {  	[smem:$0x3FA5] =	sst s10  }
0x32: {  	s10 =	sld [smem:$0x3FA3];
	_ =	sdelay $0x3  }
0x33: {  	p0 =	seq.s32 s10, $0x1;
	s10 =	sld [smem:$0x3FA5];
	_ =	sdelay $0x3  }
0x34: {  	[smem:$0x3FA5] =	sst s10  }
0x35: {  	s10 =	sld [smem:$0x3FA4];
	_ =	sdelay $0x3  }
0x36: {  	p1 =	seq.s32 s10, $0x1;
	s10 =	sld [smem:$0x3FA5];
	_ =	sdelay $0x3  }
0x37: {  	[smem:$0x3FA5] =	sst s10  }
0x38: {  	s10 =	sld [smem:$0x3FA6]  }
0x39: {  	_ = 	snop;
	(pc) =	sbr.ind lr, $3  }
0x3a: {  	_ = 	snop  }
0x3b: {  	_ = 	snop  }
0x3c: {  	p2 =	seq.s32 s10, $0x1;
	s10 =	sld [smem:$0x3FA5]  }
0x3d: {  	_ =	shalt  }
0x3e: {  	_ =	shalt  }
0x3f: {  	_ =	shalt  }
0x40: {  	_ =	shalt  }
0x41: {  	_ =	shalt  }
0x42: {  	_ =	shalt  }
0x43: {  	_ =	shalt  }
0x44: {  	_ =	shalt  }
0x45: {  	_ =	shalt  }
0x46: {  	_ =	shalt  }
0x47: {  	_ =	shalt  }
0x48: {  	_ =	shalt  }
0x49: {  	_ =	shalt  }
0x4a: {  	_ =	shalt  }
0x4b: {  	_ =	shalt  }
0x4c: {  	_ =	shalt  }
0x4d: {  	_ =	shalt  }
0x4e: {  	_ =	shalt  }
0x4f: {  	_ =	shalt  }
0x50: {  	_ =	shalt  }
0x51: {  	_ =	shalt  }
0x52: {  	_ =	shalt  }
0x53: {  	_ =	shalt  }
0x54: {  	_ =	shalt  }
0x55: {  	_ =	shalt  }
0x56: {  	_ =	shalt  }
0x57: {  	_ =	shalt  }
0x58: {  	_ =	shalt  }
0x59: {  	_ =	shalt  }
0x5a: {  	_ =	shalt  }
0x5b: {  	_ =	shalt  }
0x5c: {  	_ =	shalt  }
0x5d: {  	_ =	shalt  }
0x5e: {  	_ =	shalt  }
0x5f: {  	_ =	shalt  }
0x60: {  	_ =	shalt  }
0x61: {  	_ =	shalt  }
0x62: {  	_ =	shalt  }
0x63: {  	_ =	shalt  }
0x64: {  	_ =	shalt  }
0x65: {  	_ =	shalt  }
0x66: {  	_ =	shalt  }
0x67: {  	_ =	shalt  }
0x68: {  	_ =	shalt  }
0x69: {  	_ =	shalt  }
0x6a: {  	_ =	shalt  }
0x6b: {  	_ =	shalt  }
0x6c: {  	_ =	shalt  }
0x6d: {  	_ =	shalt  }
0x6e: {  	_ =	shalt  }
0x6f: {  	_ =	shalt  }
0x70: {  	_ =	shalt  }
0x71: {  	_ =	shalt  }
0x72: {  	_ =	shalt  }
0x73: {  	_ =	shalt  }
0x74: {  	_ =	shalt  }
0x75: {  	_ =	shalt  }
0x76: {  	_ =	shalt  }
0x77: {  	_ =	shalt  }
0x78: {  	_ =	shalt  }
0x79: {  	_ =	shalt  }
0x7a: {  	_ =	shalt  }
0x7b: {  	_ =	shalt  }
0x7c: {  	_ =	shalt  }
0x7d: {  	_ =	shalt  }
0x7e: {  	_ =	shalt  }
0x7f: {  	_ =	shalt  }
0x80: {  	_ =	shalt  }
0x81: {  	_ =	shalt  }
0x82: {  	_ =	shalt  }
0x83: {  	_ =	shalt  }
0x84: {  	_ =	shalt  }
0x85: {  	_ =	shalt  }
0x86: {  	_ =	shalt  }
0x87: {  	_ =	shalt  }
.Lfunc_end0:
.L_simem_size_0:
called_computation_lowered:
.L_overlay_start_0:
0x88: {  	s2 =	sld [smem:$0x3FD9]  }
0x89: {  	s3 =	sld [smem:$0x3FFE];
	_ =	sdelay $0x1  }
0x8a: {  	s1 =	srdreg.scid  }
0x8b: {  	s0 =	sand.u32 $0x1, s1  }
0x8c: {  	s14 =	sshll.u32 s0, $0xA;
	s2 =	sadd.s32 s3, s2  }
0x8d: {  	s2 =	sadd.s32 s2, s14  }
0x8e: {  	[smem:$0x3FB1] =	sst s2  }
0x8f: {  	_ = 	snop  }
0x90: {  	s2 =	sld [smem:$0x3FD0];
	_ =	sdelay $0x2  }
0x91: {  	s15 =	simm.s32 $0xA;
	s4 =	simm.s32 $0x10  }
0x92: {  	[smem:s4], [sflag:s15] =	dma.local [hbm:s2], $0x1  }
0x93: {  	_ =	swait.eq [sflag:s15], $0x1  }
0x94: {  	[sflag:s15] =	ssyncset.done $0x0  }
0x95: {  	[sflag:s15] =	ssyncadd.s32 $0xFFFFFFFF  }
0x96: {  	s16 =	sld [smem:$0x11];
	(tm) =	ssettm $0x1  }
0x97: {  	s17 =	sld [smem:$0x3FFB];
	_ =	sdelay $0x3  }
0x98: {  	_ =	strace s17  }
0x99: {  	s3 =	sld [smem:$0x3FFC];
	_ =	sdelay $0x3  }
0x9a: {  	_ =	strace s3  }
0x9b: {  	s3 =	sld [smem:$0x3FFD];
	_ =	sdelay $0x3  }
0x9c: {  	_ =	strace s3  }
0x9d: {  	_ =	strace $0x8FFFFFFF  }
0x9e: {  	s18 =	sld [smem:$0x3FDB];
	_ =	sdelay $0x1  }
0x9f: {  	s19 =	simm.s32 $_scs_section_size  }
0xa0: {  	s5 =	simm.s32 $_size__tile_overlayer_lowered;
	s6 =	simm.s32 $_tile_overlayer_lowered  }
0xa1: {  	s22 =	simm.s32 $0x1BFF;
	s21 =	sshll.u32 s6, $0x1;
	s3 =	sadd.s32 s19, s18  }
0xa2: {  	s7 =	simm.s32 $0x0;
	s20 =	sshll.u32 s5, $0x1;
	s5 =	sadd.s32 s21, s3  }
0xa3: {  	[timem:s7], [sflag:s22] =	dma.local [hbm:s5], s20  }
0xa4: {  	_ =	swait.ge [sflag:s22], s20  }
0xa5: {  	s4 =	ssub.s32 $0x0, s20;
	[sflag:s22] =	ssyncset.done $0x0  }
0xa6: {  	[sflag:s22] =	ssyncadd.s32 s4;
	_ =	sdelay $0x1  }
0xa7: {  	s23 =	simm.s32 $0x1B8B  }
0xa8: {  	_ =	swait.ge [sflag:s23], $0x1  }
0xa9: {  	[sflag:s23] =	ssyncset.done $0x0  }
0xaa: {  	s25 =	simm.s32 $0x1B8E;
	s24 =	sld [smem:$0x3FFE];
	[sflag:s23] =	ssyncadd.s32 $0xFFFFFFFF  }
0xab: {  	s26 =	simm.s32 $execute0_lowered;
	[smem:$0x3FD2] =	sst s25  }
0xac: {  	s5 =	sshll.u32 s26, $0x1;
	_ =	strace $0x80000046;
	[dreg:$0x1] =	wrdreg $0xFFFFFFFF  }
0xad: {  	s28 =	simm.s32 $_size_execute0_lowered;
	s3 =	sadd.s32 s3, s5;
	[dreg:$0x0] =	wrdreg $0x0  }
0xae: {  	s5 =	sshll.u32 s28, $0x1;
	[dreg:$0x2] =	wrdreg s3  }
0xaf: {  	[dreg:$0x3] =	wrdreg s5  }
0xb0: {  	[dreg:$0x4] =	wrdreg $0xC0  }
0xb1: {  	_ =	task [dreg:s7], $0x5FFFF  }
0xb2: {  	[dreg:$0x1] =	wrdreg $0xFFFFFFFF  }
0xb3: {  	[dreg:$0x0] =	wrdreg $0x60  }
0xb4: {  	[dreg:$0x2] =	wrdreg s24  }
0xb5: {  	[dreg:$0x3] =	wrdreg s16  }
0xb6: {  	[dreg:$0x4] =	wrdreg $0x9  }
0xb7: {  	_ =	task.clear_ibuf [dreg:s7], $0x5FFFF;
	_ =	strace $0x90000046  }
0xb8: {  	s29 =	simm.s32 $0x9;
	_ =	strace $0x80000048  }
0xb9: {  	_ =	swait.ge [sflag:s29], $0x1  }
0xba: {  	[sflag:s29] =	ssyncadd.s32 $0xFFFFFFFF  }
0xbb: {  	_ =	strace $0x90000048  }
0xbc: {  	_ =	sfence  }
0xbd: {  	s30 =	sld [smem:$0x0];
	_ =	sdelay $0x2  }
0xbe: {  	s31 =	sshll.u32 s1, $0xD;
	s1 =	sshrl.u32 s1, $0x2  }
0xbf: {  	s3 =	sand.u32 $0x4000, s31;
	s1 =	sadd.s32 s1, s30  }
0xc0: {  	s0 =	sor.u32 s3, s0;
	s1 =	sshll.u32 s1, $0x11  }
0xc1: {  	s0 =	sor.u32 s1, s0  }
0xc2: {  	s0 =	sadd.s32 $0x8F2B, s0  }
0xc3: {  	[sflag:s0] =	ssyncadd.remote.s32 $0x1  }
0xc4: {  	_ =	sfence.sel $0xFFFF  }
0xc5: {  	[dreg:$0x0] =	wrdreg $0xFFFFFFFF;
	(pc) =	sbr.abs _section_cstart, $3  }
0xc6: {  	[dreg:$0x1] =	wrdreg $0xFFFFFFFF  }
0xc7: {  	_ =	task.clear_ibuf [dreg:s7], $0x2FFFF;
	_ =	strace $0x9FFFFFFF  }
0xc8: {  	(tm) =	ssettm $0x7FFFFFFF  }
0xc9: {  	_ =	shalt  }
tec
execute0_lowered:
.L_overlay_start_1:
0x0: {  	(tag) =	ssettag $0x1  }
0x1: {  	s1 =	srdreg.scid  }
0x2: {  	s0 =	stileid.u32;
	s9 =	sand.u32 $0x1, s1  }
0x3: {  	s7 =	rddreg [dreg:$0x0];
	s3 =	sshll.u32 s0, $0x8;
	s4 =	sshll.u32 s9, $0x7  }
0x4: {  	s6 =	rddreg [dreg:$0x1];
	s8 =	sor.u32 s4, s3  }
0x5: {  	s2 =	simm.s32 $0x0;
	s1 =	rddreg [dreg:$0x2];
	s3 =	sshll.u32 s8, $0x4  }
0x6: {  	s5 =	simm.s32 $0x2;
	[smem:$0x7FF] =	sst s2;
	s3 =	sadd.s32 s3, s7  }
0x7: {  	_ =	strace $0x80000047;
	s4 =	simm.s32 $0x80;
	s3 =	sadd.s32 $0x3400, s3  }
0x8: {  	[tilespmem:s4], [sflag:$0x2] =	stream.linear.gather [hbm4b:s3+s2], $0x4000, $0x38;
	[tilespmem:$0x4080] =	vst v63  }
0x9: {  	_ =	swait.ge [sflag:s5], $0x4000  }
0xa: {  	s8 =	sshrl.u32 s8, $0x3;
	[sflag:s5] =	ssyncset.done $0x0  }
0xb: {  	s6 =	sadd.s32 s6, s8;
	[sflag:s5] =	ssyncadd.s32 $0xFFFFC000  }
0xc: {  	[tilespmem:s2], [sflag:$0x2] =	stream.linear.gather [hbm4b:s6+s2], $0x80, $0x38;
	[tilespmem:$0x4080] =	vst v63  }
0xd: {  	_ =	swait.ge [sflag:s5], $0x80  }
0xe: {  	s10 =	ssub.s32 $0x2, s9;
	[sflag:s5] =	ssyncset.done $0x0  }
0xf: {  	s8 =	sadd.s32 $0x13400, s7;
	s7 =	simm.s32 $0x1;
	[sflag:s5] =	ssyncadd.s32 $0xFFFFFF80  }
0x10: {  	[hbm4b:s8+s4] =	stream.indirect.scatter [tilespmem:s4], [sflag:$0x1], $0x80, s2, s4, $0xb8;
	[tilespmem:$0x4080] =	vst v63  }
0x11: {  	s11 =	sshrl.u32 s10, $0x1;
	_ =	swait.ge [sflag:s7], $0x4000  }
0x12: {  	s10 =	ssub.s32 s10, s11;
	[sflag:s7] =	ssyncset.done $0x0  }
0x13: {  	s10 =	smax.u32 s10, $0x1;
	s9 =	sadd.s32 $0x200, s6;
	[sflag:s7] =	ssyncadd.s32 $0xFFFFC000  }
0x14: {  	[tilespmem:s2], [sflag:$0x2] =	stream.linear.gather [hbm4b:s9+s2], $0x80, $0x38;
	[tilespmem:$0x4080] =	vst v63  }
0x15: {  	p0 =	sne.s32 s10, $0x1;
	_ =	swait.ge [sflag:s5], $0x80  }
.Ltmp0:
0x16: {  	[sflag:s5] =	ssyncset.done $0x0;
	(pc) =	sbr.rel @!p0 .LBB2_2-.Ltmp0, $4  }
0x17: {  	[sflag:s5] =	ssyncadd.s32 $0xFFFFFF80  }
0x18: {  	[hbm4b:s8+s4] =	stream.indirect.scatter [tilespmem:s4], [sflag:$0x1], $0x80, s2, s4, $0xb8;
	[tilespmem:$0x4080] =	vst v63  }
0x19: {  	_ =	swait.ge [sflag:s7], $0x4000  }
0x1a: {  	s10 =	sadd.s32 $0xFFFFFFFF, s10;
	[sflag:s7] =	ssyncset.done $0x0  }
.LBB2_1:
0x1b: {  	p0 =	sne.s32 s10, $0x1;
	s10 =	sadd.s32 $0xFFFFFFFF, s10;
	[sflag:s7] =	ssyncadd.s32 $0xFFFFC000  }
0x1c: {  	[tilespmem:s4], [sflag:$0x2] =	stream.linear.gather [hbm4b:s3+s2], $0x4000, $0x38;
	[tilespmem:$0x4080] =	vst v63  }
0x1d: {  	_ =	swait.ge [sflag:s5], $0x4000  }
0x1e: {  	[sflag:s5] =	ssyncset.done $0x0  }
0x1f: {  	[sflag:s5] =	ssyncadd.s32 $0xFFFFC000  }
0x20: {  	[tilespmem:s2], [sflag:$0x2] =	stream.linear.gather [hbm4b:s6+s2], $0x80, $0x38;
	[tilespmem:$0x4080] =	vst v63  }
0x21: {  	_ =	swait.ge [sflag:s5], $0x80  }
0x22: {  	[sflag:s5] =	ssyncset.done $0x0  }
0x23: {  	[sflag:s5] =	ssyncadd.s32 $0xFFFFFF80  }
0x24: {  	[hbm4b:s8+s4] =	stream.indirect.scatter [tilespmem:s4], [sflag:$0x1], $0x80, s2, s4, $0xb8;
	[tilespmem:$0x4080] =	vst v63  }
0x25: {  	_ =	swait.ge [sflag:s7], $0x4000  }
0x26: {  	[sflag:s7] =	ssyncset.done $0x0  }
0x27: {  	[sflag:s7] =	ssyncadd.s32 $0xFFFFC000  }
0x28: {  	[tilespmem:s2], [sflag:$0x2] =	stream.linear.gather [hbm4b:s9+s2], $0x80, $0x38;
	[tilespmem:$0x4080] =	vst v63  }
0x29: {  	_ =	swait.ge [sflag:s5], $0x80  }
.Ltmp1:
0x2a: {  	[sflag:s5] =	ssyncset.done $0x0;
	(pc) =	sbr.rel @p0 .LBB2_1-.Ltmp1, $4  }
0x2b: {  	[sflag:s5] =	ssyncadd.s32 $0xFFFFFF80  }
0x2c: {  	[hbm4b:s8+s4] =	stream.indirect.scatter [tilespmem:s4], [sflag:$0x1], $0x80, s2, s4, $0xb8;
	[tilespmem:$0x4080] =	vst v63  }
0x2d: {  	_ =	swait.ge [sflag:s7], $0x4000  }
0x2e: {  	[sflag:s7] =	ssyncset.done $0x0  }
.LBB2_2:
0x2f: {  	[sflag:s7] =	ssyncadd.s32 $0xFFFFC000  }
0x30: {  	_ =	sfence.sel $0x180000  }
0x31: {  	[bflag:$0x0] =	sbarrier.arrive $0xFFFF  }
0x32: {  	p0 =	sne.s32 s0, $0x0;
	_ =	strace $0x90000047  }
0x33: {  	s0 =	sadd.s32 @!p0 $0x100000, s1;
	[bflag:$0x2] =	sbarrier.arrive $0xFFFF  }
0x34: {  	[sflag:s0] =	ssyncadd.tile.s32 @!p0 $0x1;
	_ =	shalt  }
.Lfunc_end2:
_tile_overlayer_lowered:
.L_overlay_start_2:
0x35: {  	(tag) =	ssettag $0x2  }
0x36: {  	s0 =	rddreg [dreg:$0x0];
	s2 =	stileid.u32  }
0x37: {  	s1 =	rddreg [dreg:$0x1];
	p0 =	sne.s32 s2, $0x0  }
0x38: {  	s3 =	rddreg [dreg:$0x2];
	[bflag:$0x3] =	sbarrier.arrive $0xFFFF;
	s2 =	simm.s32 @!p0 $0x1C02  }
0x39: {  	[timem:s3], [sflag:s2] =	dma.local @!p0 [hbm:s0], s1  }
0x3a: {  	s0 =	simm.s32 @!p0 $0x2  }
0x3b: {  	_ =	swait.ge @!p0 [sflag:s0], s1  }
0x3c: {  	s1 =	ssub.s32 @!p0 $0x0, s1;
	[sflag:s0] =	ssyncset.done @!p0 $0x0  }
0x3d: {  	[sflag:s0] =	ssyncadd.s32 @!p0 s1  }
0x3e: {  	[bflag:$0x3] =	sbarrier.arrive $0xFFFF  }
0x3f: {  	_ =	shalt  }

</sc_bundles>
